<compile_context>
chip_gen: v7x
topology: tpu7x:2x2x1
jax: 0.10.2.dev20260603
libtpu: 0.0.44.dev20260713+nightly
codegen_flags: <defaults>
</compile_context>

<pallas_src>
import jax
import jax.numpy as jnp
from jax import lax
from jax.experimental import pallas as pl
from jax.experimental.pallas import tpu as pltpu
from jax.experimental.pallas import tpu_sc as plsc
HIDDEN = 64
VOCAB = 1000000
SEQ = 200
BSZ = 1024

NC = 2
NS = 16
L = 16
NW = NC * NS

SPW = BSZ // NW
G0, G1 = 128, SEQ - 128


def _emb_kernel(tok_hbm, ids_hbm, pos_hbm, out_hbm,
                ids_v, pos_v, in0, in1, out0, out1,
                gsem0, gsem1, osem0, osem1):
    wid = lax.axis_index("s") * NC + lax.axis_index("c")
    ins = (in0, in1)
    outs = (out0, out1)
    gsems = (gsem0, gsem1)
    osems = (osem0, osem1)

    pltpu.sync_copy(ids_hbm.at[pl.ds(wid * SPW, SPW)], ids_v)
    pltpu.sync_copy(pos_hbm.at[pl.ds(0, SEQ)], pos_v)

    def gather_start(s, j):
        pltpu.async_copy(tok_hbm.at[ids_v.at[s, pl.ds(0, G0)]],
                         ins[j].at[pl.ds(0, G0)], gsems[j])
        pltpu.async_copy(tok_hbm.at[ids_v.at[s, pl.ds(G0, G1)]],
                         ins[j].at[pl.ds(G0, G1)], gsems[j])

    def gather_wait(j):
        pltpu.make_async_copy(tok_hbm.at[pl.ds(0, SEQ)], ins[j],
                              gsems[j]).wait()

    def scatter_start(s, j):
        pltpu.async_copy(outs[j], out_hbm.at[wid * SPW + s], osems[j])

    def scatter_wait(s, j):
        pltpu.make_async_copy(outs[j], out_hbm.at[wid * SPW + s],
                              osems[j]).wait()

    def add_pos(j):
        inb, outb = ins[j], outs[j]

        @pl.loop(0, SEQ, step=2)
        def _(r):
            for rr in range(2):
                row = r + rr
                for c in range(4):
                    sl = pl.ds(c * L, L)
                    outb[row, sl] = inb[row, sl] + pos_v[row, sl]

    gather_start(0, 0)
    gather_start(1, 1)
    for s in (0, 1):
        j = s & 1
        gather_wait(j)
        add_pos(j)
        scatter_start(s, j)
        gather_start(s + 2, j)

    @pl.loop(2, SPW - 2, step=2)
    def _(s0):
        for jj in range(2):
            s = s0 + jj
            gather_wait(jj)
            add_pos(jj)
            scatter_wait(s - 2, jj)
            scatter_start(s, jj)
            gather_start(s + 2, jj)

    for s in (SPW - 2, SPW - 1):
        j = s & 1
        gather_wait(j)
        add_pos(j)
        scatter_wait(s - 2, j)
        scatter_start(s, j)
    for s in (SPW - 2, SPW - 1):
        scatter_wait(s, s & 1)


@jax.jit
def _emb(tok_table, ids, pos_table):
    mesh = plsc.VectorSubcoreMesh(core_axis_name="c", subcore_axis_name="s")
    f = pl.kernel(
        _emb_kernel,
        out_type=jax.ShapeDtypeStruct((BSZ, SEQ, HIDDEN), jnp.float32),
        mesh=mesh,
        compiler_params=pltpu.CompilerParams(use_tc_tiling_on_sc=False),
        scratch_types=[
            pltpu.VMEM((SPW, SEQ), jnp.int32),
            pltpu.VMEM((SEQ, HIDDEN), jnp.float32),
            pltpu.VMEM((SEQ, HIDDEN), jnp.float32),
            pltpu.VMEM((SEQ, HIDDEN), jnp.float32),
            pltpu.VMEM((SEQ, HIDDEN), jnp.float32),
            pltpu.VMEM((SEQ, HIDDEN), jnp.float32),
            pltpu.SemaphoreType.DMA,
            pltpu.SemaphoreType.DMA,
            pltpu.SemaphoreType.DMA,
            pltpu.SemaphoreType.DMA,
        ],
    )
    return f(tok_table, ids, pos_table)


def kernel(input_ids, tok_table, pos_table):
    return _emb(tok_table, input_ids.astype(jnp.int32), pos_table)

# --- scband reference (transcript-rebuilt; emitter-appended) ---
"""Pipeline reference for scband-atacformer-embeddings-79044578116263 (READ-ONLY COPY).

The authoritative reference and input builder live on the scoring server;
editing this copy changes nothing except your own understanding.
"""

import jax, jax.numpy as jnp
import numpy as np

VOCAB = 1000000
HIDDEN = 64
MAX_POS = 2048
PAD_IDX = 0
BSZ = 1024
SEQ = 200


def setup_inputs(seed: int = 0) -> dict:
    key = jax.random.key(seed)
    k1, k2, k3 = jax.random.split(key, 3)
    input_ids = jax.random.randint(k1, (BSZ, SEQ), 0, VOCAB, dtype=jnp.int64)
    tok_table = jax.random.normal(k2, (VOCAB, HIDDEN), dtype=jnp.float32) * 0.02
    # padding_idx row is zero-initialized in torch nn.Embedding
    tok_table = tok_table.at[PAD_IDX].set(0.0)
    pos_table = jax.random.normal(k3, (MAX_POS, HIDDEN), dtype=jnp.float32) * 0.02
    return {"input_ids": input_ids, "tok_table": tok_table, "pos_table": pos_table}


def reference(input_ids, tok_table, pos_table):
    bsz, seq_len = input_ids.shape
    pos_ids = jnp.arange(seq_len)[None, :]
    pos_ids = jnp.broadcast_to(pos_ids, (bsz, seq_len))
    tok_emb = jnp.take(tok_table, input_ids, axis=0)
    pos_emb = jnp.take(pos_table, pos_ids, axis=0)
    x = tok_emb + pos_emb  # use_pos_embeddings=True
    return x

if __name__ == "__main__":
    import jax
    _d = setup_inputs()
    print(jax.jit(kernel)(*tuple(_d.values())))

</pallas_src>

<mosaic_0001>
#map = affine_map<(d0, d1) -> (0, 0)>
#map1 = affine_map<(d0, d1) -> (0, 0, 0)>
module attributes {stable_mosaic.version = 14 : i64} {
  func.func @_emb_kernel(%arg0: i32, %arg1: i32, %arg2: memref<1000000x64xf32, #tpu.memory_space<hbm>>, %arg3: memref<1024x200xi32, #tpu.memory_space<hbm>>, %arg4: memref<2048x64xf32, #tpu.memory_space<hbm>>, %arg5: memref<1024x200x64xf32, #tpu.memory_space<hbm>>, %arg6: memref<32x200xi32, #tpu.memory_space<vmem>>, %arg7: memref<200x64xf32, #tpu.memory_space<vmem>>, %arg8: memref<200x64xf32, #tpu.memory_space<vmem>>, %arg9: memref<200x64xf32, #tpu.memory_space<vmem>>, %arg10: memref<200x64xf32, #tpu.memory_space<vmem>>, %arg11: memref<200x64xf32, #tpu.memory_space<vmem>>, %arg12: memref<!tpu.dma_semaphore, #tpu.memory_space<semaphore_mem>>, %arg13: memref<!tpu.dma_semaphore, #tpu.memory_space<semaphore_mem>>, %arg14: memref<!tpu.dma_semaphore, #tpu.memory_space<semaphore_mem>>, %arg15: memref<!tpu.dma_semaphore, #tpu.memory_space<semaphore_mem>>) attributes {dimension_semantics = [#tpu.dimension_semantics<core_parallel>, #tpu.dimension_semantics<subcore_parallel>], iteration_bounds = array<i64: 2, 16>, scalar_prefetch = 0 : i64, scratch_operands = 10 : i64, tpu.core_type = #tpu.core_type<sc_vector_subcore>, window_params = [{transform_indices = #map}, {transform_indices = #map}, {transform_indices = #map}, {transform_indices = #map1}]} {
    %mul3A = arith.constant 2 : i32
    %mul3A_0 = arith.muli %arg1, %mul3A : i32
    %add3A = arith.addi %mul3A_0, %arg0 : i32
    %mul3A_1 = arith.constant 32 : i32
    %mul3A_2 = arith.muli %add3A, %mul3A_1 : i32
    "tpu.region"() ({
      %run_scoped3A = tpu.sem_alloc : memref<!tpu.dma_semaphore, #tpu.memory_space<semaphore_mem>>
      %dma_start3A_225 = arith.constant 0 : i32
      %dma_start3A_226 = tpu.memref_slice %arg3[%mul3A_2, %dma_start3A_225] : memref<1024x200xi32, #tpu.memory_space<hbm>> -> memref<32x200xi32, #tpu.memory_space<hbm>>
      %dma_start3A_227 = arith.constant 0 : i32
      %dma_start3A_228 = tpu.memref_slice %arg3[%mul3A_2, %dma_start3A_227] : memref<1024x200xi32, #tpu.memory_space<hbm>> -> memref<32x200xi32, #tpu.memory_space<hbm>>
      tpu.enqueue_dma source(%dma_start3A_228 : memref<32x200xi32, #tpu.memory_space<hbm>>) target(%arg6 : memref<32x200xi32, #tpu.memory_space<vmem>>) target_semaphore(%run_scoped3A : memref<!tpu.dma_semaphore, #tpu.memory_space<semaphore_mem>>)
      %dma_wait3A_229 = arith.constant 0 : i32
      %dma_wait3A_230 = tpu.memref_slice %arg3[%mul3A_2, %dma_wait3A_229] : memref<1024x200xi32, #tpu.memory_space<hbm>> -> memref<32x200xi32, #tpu.memory_space<hbm>>
      %dma_wait3A_231 = arith.constant 0 : i32
      %dma_wait3A_232 = tpu.memref_slice %arg3[%mul3A_2, %dma_wait3A_231] : memref<1024x200xi32, #tpu.memory_space<hbm>> -> memref<32x200xi32, #tpu.memory_space<hbm>>
      tpu.wait_dma2 semaphore(%run_scoped3A : memref<!tpu.dma_semaphore, #tpu.memory_space<semaphore_mem>>) src(%dma_wait3A_232 : memref<32x200xi32, #tpu.memory_space<hbm>>) dst(%arg6 : memref<32x200xi32, #tpu.memory_space<vmem>>)
      tpu.yield
    }) : () -> ()
    "tpu.region"() ({
      %run_scoped3A = tpu.sem_alloc : memref<!tpu.dma_semaphore, #tpu.memory_space<semaphore_mem>>
      %dma_start3A_225 = arith.constant 0 : i32
      %dma_start3A_226 = arith.constant 0 : i32
      %dma_start3A_227 = tpu.memref_slice %arg4[%dma_start3A_225, %dma_start3A_226] : memref<2048x64xf32, #tpu.memory_space<hbm>> -> memref<200x64xf32, #tpu.memory_space<hbm>>
      %dma_start3A_228 = arith.constant 0 : i32
      %dma_start3A_229 = arith.constant 0 : i32
      %dma_start3A_230 = tpu.memref_slice %arg4[%dma_start3A_228, %dma_start3A_229] : memref<2048x64xf32, #tpu.memory_space<hbm>> -> memref<200x64xf32, #tpu.memory_space<hbm>>
      tpu.enqueue_dma source(%dma_start3A_230 : memref<200x64xf32, #tpu.memory_space<hbm>>) target(%arg7 : memref<200x64xf32, #tpu.memory_space<vmem>>) target_semaphore(%run_scoped3A : memref<!tpu.dma_semaphore, #tpu.memory_space<semaphore_mem>>)
      %dma_wait3A_231 = arith.constant 0 : i32
      %dma_wait3A_232 = arith.constant 0 : i32
      %dma_wait3A_233 = tpu.memref_slice %arg4[%dma_wait3A_231, %dma_wait3A_232] : memref<2048x64xf32, #tpu.memory_space<hbm>> -> memref<200x64xf32, #tpu.memory_space<hbm>>
      %dma_wait3A_234 = arith.constant 0 : i32
      %dma_wait3A_235 = arith.constant 0 : i32
      %dma_wait3A_236 = tpu.memref_slice %arg4[%dma_wait3A_234, %dma_wait3A_235] : memref<2048x64xf32, #tpu.memory_space<hbm>> -> memref<200x64xf32, #tpu.memory_space<hbm>>
      tpu.wait_dma2 semaphore(%run_scoped3A : memref<!tpu.dma_semaphore, #tpu.memory_space<semaphore_mem>>) src(%dma_wait3A_236 : memref<200x64xf32, #tpu.memory_space<hbm>>) dst(%arg7 : memref<200x64xf32, #tpu.memory_space<vmem>>)
      tpu.yield
    }) : () -> ()
    %dma_start3A = arith.constant 0 : i32
    %dma_start3A_3 = arith.constant 0 : i32
    %dma_start3A_4 = arith.constant 0 : i32
    %dma_start3A_5 = tpu.memref_slice %arg8[%dma_start3A_3, %dma_start3A_4] : memref<200x64xf32, #tpu.memory_space<vmem>> -> memref<128x64xf32, #tpu.memory_space<vmem>>
    %dma_start3A_6 = arith.constant 0 : i32
    %dma_start3A_7 = tpu.memref_slice %arg6[%dma_start3A, %dma_start3A_6] : memref<32x200xi32, #tpu.memory_space<vmem>> -> memref<1x128xi32, #tpu.memory_space<vmem>>
    %dma_start3A_8 = tpu.memref_squeeze %dma_start3A_7 : memref<1x128xi32, #tpu.memory_space<vmem>> -> memref<128xi32, #tpu.memory_space<vmem>>
    %dma_start3A_9 = arith.constant 0 : i32
    %dma_start3A_10 = arith.constant 0 : i32
    %dma_start3A_11 = tpu.memref_slice %arg2[%dma_start3A_9, %dma_start3A_10] : memref<1000000x64xf32, #tpu.memory_space<hbm>> -> memref<1000000x64xf32, #tpu.memory_space<hbm>>
    tpu.enqueue_indirect_dma source(%dma_start3A_11 : memref<1000000x64xf32, #tpu.memory_space<hbm>>) target(%dma_start3A_5 : memref<128x64xf32, #tpu.memory_space<vmem>>) offsets(%dma_start3A_8 : memref<128xi32, #tpu.memory_space<vmem>>) semaphore(%arg12 : memref<!tpu.dma_semaphore, #tpu.memory_space<semaphore_mem>>)
    %dma_start3A_12 = arith.constant 0 : i32
    %dma_start3A_13 = arith.constant 128 : i32
    %dma_start3A_14 = arith.constant 0 : i32
    %dma_start3A_15 = tpu.memref_slice %arg8[%dma_start3A_13, %dma_start3A_14] : memref<200x64xf32, #tpu.memory_space<vmem>> -> memref<72x64xf32, #tpu.memory_space<vmem>>
    %dma_start3A_16 = arith.constant 128 : i32
    %dma_start3A_17 = tpu.memref_slice %arg6[%dma_start3A_12, %dma_start3A_16] : memref<32x200xi32, #tpu.memory_space<vmem>> -> memref<1x72xi32, #tpu.memory_space<vmem>>
    %dma_start3A_18 = tpu.memref_squeeze %dma_start3A_17 : memref<1x72xi32, #tpu.memory_space<vmem>> -> memref<72xi32, #tpu.memory_space<vmem>>
    %dma_start3A_19 = arith.constant 0 : i32
    %dma_start3A_20 = arith.constant 0 : i32
    %dma_start3A_21 = tpu.memref_slice %arg2[%dma_start3A_19, %dma_start3A_20] : memref<1000000x64xf32, #tpu.memory_space<hbm>> -> memref<1000000x64xf32, #tpu.memory_space<hbm>>
    tpu.enqueue_indirect_dma source(%dma_start3A_21 : memref<1000000x64xf32, #tpu.memory_space<hbm>>) target(%dma_start3A_15 : memref<72x64xf32, #tpu.memory_space<vmem>>) offsets(%dma_start3A_18 : memref<72xi32, #tpu.memory_space<vmem>>) semaphore(%arg12 : memref<!tpu.dma_semaphore, #tpu.memory_space<semaphore_mem>>)
    %dma_start3A_22 = arith.constant 1 : i32
    %dma_start3A_23 = arith.constant 0 : i32
    %dma_start3A_24 = arith.constant 0 : i32
    %dma_start3A_25 = tpu.memref_slice %arg9[%dma_start3A_23, %dma_start3A_24] : memref<200x64xf32, #tpu.memory_space<vmem>> -> memref<128x64xf32, #tpu.memory_space<vmem>>
    %dma_start3A_26 = arith.constant 0 : i32
    %dma_start3A_27 = tpu.memref_slice %arg6[%dma_start3A_22, %dma_start3A_26] : memref<32x200xi32, #tpu.memory_space<vmem>> -> memref<1x128xi32, #tpu.memory_space<vmem>>
    %dma_start3A_28 = tpu.memref_squeeze %dma_start3A_27 : memref<1x128xi32, #tpu.memory_space<vmem>> -> memref<128xi32, #tpu.memory_space<vmem>>
    %dma_start3A_29 = arith.constant 0 : i32
    %dma_start3A_30 = arith.constant 0 : i32
    %dma_start3A_31 = tpu.memref_slice %arg2[%dma_start3A_29, %dma_start3A_30] : memref<1000000x64xf32, #tpu.memory_space<hbm>> -> memref<1000000x64xf32, #tpu.memory_space<hbm>>
    tpu.enqueue_indirect_dma source(%dma_start3A_31 : memref<1000000x64xf32, #tpu.memory_space<hbm>>) target(%dma_start3A_25 : memref<128x64xf32, #tpu.memory_space<vmem>>) offsets(%dma_start3A_28 : memref<128xi32, #tpu.memory_space<vmem>>) semaphore(%arg13 : memref<!tpu.dma_semaphore, #tpu.memory_space<semaphore_mem>>)
    %dma_start3A_32 = arith.constant 1 : i32
    %dma_start3A_33 = arith.constant 128 : i32
    %dma_start3A_34 = arith.constant 0 : i32
    %dma_start3A_35 = tpu.memref_slice %arg9[%dma_start3A_33, %dma_start3A_34] : memref<200x64xf32, #tpu.memory_space<vmem>> -> memref<72x64xf32, #tpu.memory_space<vmem>>
    %dma_start3A_36 = arith.constant 128 : i32
    %dma_start3A_37 = tpu.memref_slice %arg6[%dma_start3A_32, %dma_start3A_36] : memref<32x200xi32, #tpu.memory_space<vmem>> -> memref<1x72xi32, #tpu.memory_space<vmem>>
    %dma_start3A_38 = tpu.memref_squeeze %dma_start3A_37 : memref<1x72xi32, #tpu.memory_space<vmem>> -> memref<72xi32, #tpu.memory_space<vmem>>
    %dma_start3A_39 = arith.constant 0 : i32
    %dma_start3A_40 = arith.constant 0 : i32
    %dma_start3A_41 = tpu.memref_slice %arg2[%dma_start3A_39, %dma_start3A_40] : memref<1000000x64xf32, #tpu.memory_space<hbm>> -> memref<1000000x64xf32, #tpu.memory_space<hbm>>
    tpu.enqueue_indirect_dma source(%dma_start3A_41 : memref<1000000x64xf32, #tpu.memory_space<hbm>>) target(%dma_start3A_35 : memref<72x64xf32, #tpu.memory_space<vmem>>) offsets(%dma_start3A_38 : memref<72xi32, #tpu.memory_space<vmem>>) semaphore(%arg13 : memref<!tpu.dma_semaphore, #tpu.memory_space<semaphore_mem>>)
    %dma_wait3A = arith.constant 0 : i32
    %dma_wait3A_42 = arith.constant 0 : i32
    %dma_wait3A_43 = tpu.memref_slice %arg2[%dma_wait3A, %dma_wait3A_42] : memref<1000000x64xf32, #tpu.memory_space<hbm>> -> memref<200x64xf32, #tpu.memory_space<hbm>>
    %dma_wait3A_44 = arith.constant 0 : i32
    %dma_wait3A_45 = arith.constant 0 : i32
    %dma_wait3A_46 = tpu.memref_slice %arg2[%dma_wait3A_44, %dma_wait3A_45] : memref<1000000x64xf32, #tpu.memory_space<hbm>> -> memref<200x64xf32, #tpu.memory_space<hbm>>
    tpu.wait_dma2 semaphore(%arg12 : memref<!tpu.dma_semaphore, #tpu.memory_space<semaphore_mem>>) src(%dma_wait3A_46 : memref<200x64xf32, #tpu.memory_space<hbm>>) dst(%arg8 : memref<200x64xf32, #tpu.memory_space<vmem>>)
    %scan3A = arith.constant 0 : i32
    %scan3A_47 = arith.constant 100 : i32
    %scan3A_48 = arith.addi %scan3A, %scan3A_47 : i32
    %scan3A_49 = arith.constant 1 : i32
    scf.for %scan3A_225 = %scan3A to %scan3A_48 step %scan3A_49  : i32 {
      %mul3A_226 = arith.constant 2 : i32
      %mul3A_227 = arith.muli %scan3A_225, %mul3A_226 : i32
      %add3A_228 = arith.constant 0 : i32
      %add3A_229 = arith.addi %add3A_228, %mul3A_227 : i32
      %add3A_230 = arith.constant 0 : i32
      %add3A_231 = arith.addi %add3A_229, %add3A_230 : i32
      %get3A = arith.index_cast %add3A_231 : i32 to index
      %get3A_232 = arith.constant 0 : index
      %get3A_233 = tpu.vector_load %arg8[%get3A, %get3A_232] {strides = array<i32>} : memref<200x64xf32, #tpu.memory_space<vmem>>, vector<1x16xf32>,
      %get3A_234 = vector.shape_cast %get3A_233 : vector<1x16xf32> to vector<16xf32>
      %get3A_235 = arith.index_cast %add3A_231 : i32 to index
      %get3A_236 = arith.constant 0 : index
      %get3A_237 = tpu.vector_load %arg7[%get3A_235, %get3A_236] {strides = array<i32>} : memref<200x64xf32, #tpu.memory_space<vmem>>, vector<1x16xf32>,
      %get3A_238 = vector.shape_cast %get3A_237 : vector<1x16xf32> to vector<16xf32>
      %add3A_239 = arith.addf %get3A_234, %get3A_238 : vector<16xf32>
      %swap3A = arith.index_cast %add3A_231 : i32 to index
      %swap3A_240 = arith.constant 0 : index
      %swap3A_241 = tpu.vector_load %arg10[%swap3A, %swap3A_240] {strides = array<i32>} : memref<200x64xf32, #tpu.memory_space<vmem>>, vector<1x16xf32>,
      %swap3A_242 = vector.shape_cast %swap3A_241 : vector<1x16xf32> to vector<16xf32>
      %swap3A_243 = vector.shape_cast %add3A_239 : vector<16xf32> to vector<1x16xf32>
      tpu.vector_store %arg10[%swap3A, %swap3A_240], %swap3A_243 {strides = array<i32>} : memref<200x64xf32, #tpu.memory_space<vmem>>, vector<1x16xf32>,
      %get3A_244 = arith.index_cast %add3A_231 : i32 to index
      %get3A_245 = arith.constant 16 : index
      %get3A_246 = tpu.vector_load %arg8[%get3A_244, %get3A_245] {strides = array<i32>} : memref<200x64xf32, #tpu.memory_space<vmem>>, vector<1x16xf32>,
      %get3A_247 = vector.shape_cast %get3A_246 : vector<1x16xf32> to vector<16xf32>
      %get3A_248 = arith.index_cast %add3A_231 : i32 to index
      %get3A_249 = arith.constant 16 : index
      %get3A_250 = tpu.vector_load %arg7[%get3A_248, %get3A_249] {strides = array<i32>} : memref<200x64xf32, #tpu.memory_space<vmem>>, vector<1x16xf32>,
      %get3A_251 = vector.shape_cast %get3A_250 : vector<1x16xf32> to vector<16xf32>
      %add3A_252 = arith.addf %get3A_247, %get3A_251 : vector<16xf32>
      %swap3A_253 = arith.index_cast %add3A_231 : i32 to index
      %swap3A_254 = arith.constant 16 : index
      %swap3A_255 = tpu.vector_load %arg10[%swap3A_253, %swap3A_254] {strides = array<i32>} : memref<200x64xf32, #tpu.memory_space<vmem>>, vector<1x16xf32>,
      %swap3A_256 = vector.shape_cast %swap3A_255 : vector<1x16xf32> to vector<16xf32>
      %swap3A_257 = vector.shape_cast %add3A_252 : vector<16xf32> to vector<1x16xf32>
      tpu.vector_store %arg10[%swap3A_253, %swap3A_254], %swap3A_257 {strides = array<i32>} : memref<200x64xf32, #tpu.memory_space<vmem>>, vector<1x16xf32>,
      %get3A_258 = arith.index_cast %add3A_231 : i32 to index
      %get3A_259 = arith.constant 32 : index
      %get3A_260 = tpu.vector_load %arg8[%get3A_258, %get3A_259] {strides = array<i32>} : memref<200x64xf32, #tpu.memory_space<vmem>>, vector<1x16xf32>,
      %get3A_261 = vector.shape_cast %get3A_260 : vector<1x16xf32> to vector<16xf32>
      %get3A_262 = arith.index_cast %add3A_231 : i32 to index
      %get3A_263 = arith.constant 32 : index
      %get3A_264 = tpu.vector_load %arg7[%get3A_262, %get3A_263] {strides = array<i32>} : memref<200x64xf32, #tpu.memory_space<vmem>>, vector<1x16xf32>,
      %get3A_265 = vector.shape_cast %get3A_264 : vector<1x16xf32> to vector<16xf32>
      %add3A_266 = arith.addf %get3A_261, %get3A_265 : vector<16xf32>
      %swap3A_267 = arith.index_cast %add3A_231 : i32 to index
      %swap3A_268 = arith.constant 32 : index
      %swap3A_269 = tpu.vector_load %arg10[%swap3A_267, %swap3A_268] {strides = array<i32>} : memref<200x64xf32, #tpu.memory_space<vmem>>, vector<1x16xf32>,
      %swap3A_270 = vector.shape_cast %swap3A_269 : vector<1x16xf32> to vector<16xf32>
      %swap3A_271 = vector.shape_cast %add3A_266 : vector<16xf32> to vector<1x16xf32>
      tpu.vector_store %arg10[%swap3A_267, %swap3A_268], %swap3A_271 {strides = array<i32>} : memref<200x64xf32, #tpu.memory_space<vmem>>, vector<1x16xf32>,
      %get3A_272 = arith.index_cast %add3A_231 : i32 to index
      %get3A_273 = arith.constant 48 : index
      %get3A_274 = tpu.vector_load %arg8[%get3A_272, %get3A_273] {strides = array<i32>} : memref<200x64xf32, #tpu.memory_space<vmem>>, vector<1x16xf32>,
      %get3A_275 = vector.shape_cast %get3A_274 : vector<1x16xf32> to vector<16xf32>
      %get3A_276 = arith.index_cast %add3A_231 : i32 to index
      %get3A_277 = arith.constant 48 : index
      %get3A_278 = tpu.vector_load %arg7[%get3A_276, %get3A_277] {strides = array<i32>} : memref<200x64xf32, #tpu.memory_space<vmem>>, vector<1x16xf32>,
      %get3A_279 = vector.shape_cast %get3A_278 : vector<1x16xf32> to vector<16xf32>
      %add3A_280 = arith.addf %get3A_275, %get3A_279 : vector<16xf32>
      %swap3A_281 = arith.index_cast %add3A_231 : i32 to index
      %swap3A_282 = arith.constant 48 : index
      %swap3A_283 = tpu.vector_load %arg10[%swap3A_281, %swap3A_282] {strides = array<i32>} : memref<200x64xf32, #tpu.memory_space<vmem>>, vector<1x16xf32>,
      %swap3A_284 = vector.shape_cast %swap3A_283 : vector<1x16xf32> to vector<16xf32>
      %swap3A_285 = vector.shape_cast %add3A_280 : vector<16xf32> to vector<1x16xf32>
      tpu.vector_store %arg10[%swap3A_281, %swap3A_282], %swap3A_285 {strides = array<i32>} : memref<200x64xf32, #tpu.memory_space<vmem>>, vector<1x16xf32>,
      %add3A_286 = arith.constant 1 : i32
      %add3A_287 = arith.addi %add3A_229, %add3A_286 : i32
      %get3A_288 = arith.index_cast %add3A_287 : i32 to index
      %get3A_289 = arith.constant 0 : index
      %get3A_290 = tpu.vector_load %arg8[%get3A_288, %get3A_289] {strides = array<i32>} : memref<200x64xf32, #tpu.memory_space<vmem>>, vector<1x16xf32>,
      %get3A_291 = vector.shape_cast %get3A_290 : vector<1x16xf32> to vector<16xf32>
      %get3A_292 = arith.index_cast %add3A_287 : i32 to index
      %get3A_293 = arith.constant 0 : index
      %get3A_294 = tpu.vector_load %arg7[%get3A_292, %get3A_293] {strides = array<i32>} : memref<200x64xf32, #tpu.memory_space<vmem>>, vector<1x16xf32>,
      %get3A_295 = vector.shape_cast %get3A_294 : vector<1x16xf32> to vector<16xf32>
      %add3A_296 = arith.addf %get3A_291, %get3A_295 : vector<16xf32>
      %swap3A_297 = arith.index_cast %add3A_287 : i32 to index
      %swap3A_298 = arith.constant 0 : index
      %swap3A_299 = tpu.vector_load %arg10[%swap3A_297, %swap3A_298] {strides = array<i32>} : memref<200x64xf32, #tpu.memory_space<vmem>>, vector<1x16xf32>,
      %swap3A_300 = vector.shape_cast %swap3A_299 : vector<1x16xf32> to vector<16xf32>
      %swap3A_301 = vector.shape_cast %add3A_296 : vector<16xf32> to vector<1x16xf32>
      tpu.vector_store %arg10[%swap3A_297, %swap3A_298], %swap3A_301 {strides = array<i32>} : memref<200x64xf32, #tpu.memory_space<vmem>>, vector<1x16xf32>,
      %get3A_302 = arith.index_cast %add3A_287 : i32 to index
      %get3A_303 = arith.constant 16 : index
      %get3A_304 = tpu.vector_load %arg8[%get3A_302, %get3A_303] {strides = array<i32>} : memref<200x64xf32, #tpu.memory_space<vmem>>, vector<1x16xf32>,
      %get3A_305 = vector.shape_cast %get3A_304 : vector<1x16xf32> to vector<16xf32>
      %get3A_306 = arith.index_cast %add3A_287 : i32 to index
      %get3A_307 = arith.constant 16 : index
      %get3A_308 = tpu.vector_load %arg7[%get3A_306, %get3A_307] {strides = array<i32>} : memref<200x64xf32, #tpu.memory_space<vmem>>, vector<1x16xf32>,
      %get3A_309 = vector.shape_cast %get3A_308 : vector<1x16xf32> to vector<16xf32>
      %add3A_310 = arith.addf %get3A_305, %get3A_309 : vector<16xf32>
      %swap3A_311 = arith.index_cast %add3A_287 : i32 to index
      %swap3A_312 = arith.constant 16 : index
      %swap3A_313 = tpu.vector_load %arg10[%swap3A_311, %swap3A_312] {strides = array<i32>} : memref<200x64xf32, #tpu.memory_space<vmem>>, vector<1x16xf32>,
      %swap3A_314 = vector.shape_cast %swap3A_313 : vector<1x16xf32> to vector<16xf32>
      %swap3A_315 = vector.shape_cast %add3A_310 : vector<16xf32> to vector<1x16xf32>
      tpu.vector_store %arg10[%swap3A_311, %swap3A_312], %swap3A_315 {strides = array<i32>} : memref<200x64xf32, #tpu.memory_space<vmem>>, vector<1x16xf32>,
      %get3A_316 = arith.index_cast %add3A_287 : i32 to index
      %get3A_317 = arith.constant 32 : index
      %get3A_318 = tpu.vector_load %arg8[%get3A_316, %get3A_317] {strides = array<i32>} : memref<200x64xf32, #tpu.memory_space<vmem>>, vector<1x16xf32>,
      %get3A_319 = vector.shape_cast %get3A_318 : vector<1x16xf32> to vector<16xf32>
      %get3A_320 = arith.index_cast %add3A_287 : i32 to index
      %get3A_321 = arith.constant 32 : index
      %get3A_322 = tpu.vector_load %arg7[%get3A_320, %get3A_321] {strides = array<i32>} : memref<200x64xf32, #tpu.memory_space<vmem>>, vector<1x16xf32>,
      %get3A_323 = vector.shape_cast %get3A_322 : vector<1x16xf32> to vector<16xf32>
      %add3A_324 = arith.addf %get3A_319, %get3A_323 : vector<16xf32>
      %swap3A_325 = arith.index_cast %add3A_287 : i32 to index
      %swap3A_326 = arith.constant 32 : index
      %swap3A_327 = tpu.vector_load %arg10[%swap3A_325, %swap3A_326] {strides = array<i32>} : memref<200x64xf32, #tpu.memory_space<vmem>>, vector<1x16xf32>,
      %swap3A_328 = vector.shape_cast %swap3A_327 : vector<1x16xf32> to vector<16xf32>
      %swap3A_329 = vector.shape_cast %add3A_324 : vector<16xf32> to vector<1x16xf32>
      tpu.vector_store %arg10[%swap3A_325, %swap3A_326], %swap3A_329 {strides = array<i32>} : memref<200x64xf32, #tpu.memory_space<vmem>>, vector<1x16xf32>,
      %get3A_330 = arith.index_cast %add3A_287 : i32 to index
      %get3A_331 = arith.constant 48 : index
      %get3A_332 = tpu.vector_load %arg8[%get3A_330, %get3A_331] {strides = array<i32>} : memref<200x64xf32, #tpu.memory_space<vmem>>, vector<1x16xf32>,
      %get3A_333 = vector.shape_cast %get3A_332 : vector<1x16xf32> to vector<16xf32>
      %get3A_334 = arith.index_cast %add3A_287 : i32 to index
      %get3A_335 = arith.constant 48 : index
      %get3A_336 = tpu.vector_load %arg7[%get3A_334, %get3A_335] {strides = array<i32>} : memref<200x64xf32, #tpu.memory_space<vmem>>, vector<1x16xf32>,
      %get3A_337 = vector.shape_cast %get3A_336 : vector<1x16xf32> to vector<16xf32>
      %add3A_338 = arith.addf %get3A_333, %get3A_337 : vector<16xf32>
      %swap3A_339 = arith.index_cast %add3A_287 : i32 to index
      %swap3A_340 = arith.constant 48 : index
      %swap3A_341 = tpu.vector_load %arg10[%swap3A_339, %swap3A_340] {strides = array<i32>} : memref<200x64xf32, #tpu.memory_space<vmem>>, vector<1x16xf32>,
      %swap3A_342 = vector.shape_cast %swap3A_341 : vector<1x16xf32> to vector<16xf32>
      %swap3A_343 = vector.shape_cast %add3A_338 : vector<16xf32> to vector<1x16xf32>
      tpu.vector_store %arg10[%swap3A_339, %swap3A_340], %swap3A_343 {strides = array<i32>} : memref<200x64xf32, #tpu.memory_space<vmem>>, vector<1x16xf32>,
    }
    %scan3A_50 = arith.constant 100 : i32
    %mul3A_51 = arith.constant 32 : i32
    %mul3A_52 = arith.muli %add3A, %mul3A_51 : i32
    %add3A_53 = arith.constant 0 : i32
    %add3A_54 = arith.addi %mul3A_52, %add3A_53 : i32
    %dma_start3A_55 = arith.constant 0 : i32
    %dma_start3A_56 = arith.constant 0 : i32
    %dma_start3A_57 = tpu.memref_slice %arg5[%add3A_54, %dma_start3A_55, %dma_start3A_56] : memref<1024x200x64xf32, #tpu.memory_space<hbm>> -> memref<1x200x64xf32, #tpu.memory_space<hbm>>
    %dma_start3A_58 = tpu.memref_squeeze %dma_start3A_57 : memref<1x200x64xf32, #tpu.memory_space<hbm>> -> memref<200x64xf32, #tpu.memory_space<hbm>>
    %dma_start3A_59 = arith.constant 0 : i32
    %dma_start3A_60 = arith.constant 0 : i32
    %dma_start3A_61 = tpu.memref_slice %arg5[%add3A_54, %dma_start3A_59, %dma_start3A_60] : memref<1024x200x64xf32, #tpu.memory_space<hbm>> -> memref<1x200x64xf32, #tpu.memory_space<hbm>>
    %dma_start3A_62 = tpu.memref_squeeze %dma_start3A_61 : memref<1x200x64xf32, #tpu.memory_space<hbm>> -> memref<200x64xf32, #tpu.memory_space<hbm>>
    tpu.enqueue_dma source(%arg10 : memref<200x64xf32, #tpu.memory_space<vmem>>) target(%dma_start3A_62 : memref<200x64xf32, #tpu.memory_space<hbm>>) target_semaphore(%arg14 : memref<!tpu.dma_semaphore, #tpu.memory_space<semaphore_mem>>)
    %dma_start3A_63 = arith.constant 2 : i32
    %dma_start3A_64 = arith.constant 0 : i32
    %dma_start3A_65 = arith.constant 0 : i32
    %dma_start3A_66 = tpu.memref_slice %arg8[%dma_start3A_64, %dma_start3A_65] : memref<200x64xf32, #tpu.memory_space<vmem>> -> memref<128x64xf32, #tpu.memory_space<vmem>>
    %dma_start3A_67 = arith.constant 0 : i32
    %dma_start3A_68 = tpu.memref_slice %arg6[%dma_start3A_63, %dma_start3A_67] : memref<32x200xi32, #tpu.memory_space<vmem>> -> memref<1x128xi32, #tpu.memory_space<vmem>>
    %dma_start3A_69 = tpu.memref_squeeze %dma_start3A_68 : memref<1x128xi32, #tpu.memory_space<vmem>> -> memref<128xi32, #tpu.memory_space<vmem>>
    %dma_start3A_70 = arith.constant 0 : i32
    %dma_start3A_71 = arith.constant 0 : i32
    %dma_start3A_72 = tpu.memref_slice %arg2[%dma_start3A_70, %dma_start3A_71] : memref<1000000x64xf32, #tpu.memory_space<hbm>> -> memref<1000000x64xf32, #tpu.memory_space<hbm>>
    tpu.enqueue_indirect_dma source(%dma_start3A_72 : memref<1000000x64xf32, #tpu.memory_space<hbm>>) target(%dma_start3A_66 : memref<128x64xf32, #tpu.memory_space<vmem>>) offsets(%dma_start3A_69 : memref<128xi32, #tpu.memory_space<vmem>>) semaphore(%arg12 : memref<!tpu.dma_semaphore, #tpu.memory_space<semaphore_mem>>)
    %dma_start3A_73 = arith.constant 2 : i32
    %dma_start3A_74 = arith.constant 128 : i32
    %dma_start3A_75 = arith.constant 0 : i32
    %dma_start3A_76 = tpu.memref_slice %arg8[%dma_start3A_74, %dma_start3A_75] : memref<200x64xf32, #tpu.memory_space<vmem>> -> memref<72x64xf32, #tpu.memory_space<vmem>>
    %dma_start3A_77 = arith.constant 128 : i32
    %dma_start3A_78 = tpu.memref_slice %arg6[%dma_start3A_73, %dma_start3A_77] : memref<32x200xi32, #tpu.memory_space<vmem>> -> memref<1x72xi32, #tpu.memory_space<vmem>>
    %dma_start3A_79 = tpu.memref_squeeze %dma_start3A_78 : memref<1x72xi32, #tpu.memory_space<vmem>> -> memref<72xi32, #tpu.memory_space<vmem>>
    %dma_start3A_80 = arith.constant 0 : i32
    %dma_start3A_81 = arith.constant 0 : i32
    %dma_start3A_82 = tpu.memref_slice %arg2[%dma_start3A_80, %dma_start3A_81] : memref<1000000x64xf32, #tpu.memory_space<hbm>> -> memref<1000000x64xf32, #tpu.memory_space<hbm>>
    tpu.enqueue_indirect_dma source(%dma_start3A_82 : memref<1000000x64xf32, #tpu.memory_space<hbm>>) target(%dma_start3A_76 : memref<72x64xf32, #tpu.memory_space<vmem>>) offsets(%dma_start3A_79 : memref<72xi32, #tpu.memory_space<vmem>>) semaphore(%arg12 : memref<!tpu.dma_semaphore, #tpu.memory_space<semaphore_mem>>)
    %dma_wait3A_83 = arith.constant 0 : i32
    %dma_wait3A_84 = arith.constant 0 : i32
    %dma_wait3A_85 = tpu.memref_slice %arg2[%dma_wait3A_83, %dma_wait3A_84] : memref<1000000x64xf32, #tpu.memory_space<hbm>> -> memref<200x64xf32, #tpu.memory_space<hbm>>
    %dma_wait3A_86 = arith.constant 0 : i32
    %dma_wait3A_87 = arith.constant 0 : i32
    %dma_wait3A_88 = tpu.memref_slice %arg2[%dma_wait3A_86, %dma_wait3A_87] : memref<1000000x64xf32, #tpu.memory_space<hbm>> -> memref<200x64xf32, #tpu.memory_space<hbm>>
    tpu.wait_dma2 semaphore(%arg13 : memref<!tpu.dma_semaphore, #tpu.memory_space<semaphore_mem>>) src(%dma_wait3A_88 : memref<200x64xf32, #tpu.memory_space<hbm>>) dst(%arg9 : memref<200x64xf32, #tpu.memory_space<vmem>>)
    %scan3A_89 = arith.constant 0 : i32
    %scan3A_90 = arith.constant 100 : i32
    %scan3A_91 = arith.addi %scan3A_89, %scan3A_90 : i32
    %scan3A_92 = arith.constant 1 : i32
    scf.for %scan3A_225 = %scan3A_89 to %scan3A_91 step %scan3A_92  : i32 {
      %mul3A_226 = arith.constant 2 : i32
      %mul3A_227 = arith.muli %scan3A_225, %mul3A_226 : i32
      %add3A_228 = arith.constant 0 : i32
      %add3A_229 = arith.addi %add3A_228, %mul3A_227 : i32
      %add3A_230 = arith.constant 0 : i32
      %add3A_231 = arith.addi %add3A_229, %add3A_230 : i32
      %get3A = arith.index_cast %add3A_231 : i32 to index
      %get3A_232 = arith.constant 0 : index
      %get3A_233 = tpu.vector_load %arg9[%get3A, %get3A_232] {strides = array<i32>} : memref<200x64xf32, #tpu.memory_space<vmem>>, vector<1x16xf32>,
      %get3A_234 = vector.shape_cast %get3A_233 : vector<1x16xf32> to vector<16xf32>
      %get3A_235 = arith.index_cast %add3A_231 : i32 to index
      %get3A_236 = arith.constant 0 : index
      %get3A_237 = tpu.vector_load %arg7[%get3A_235, %get3A_236] {strides = array<i32>} : memref<200x64xf32, #tpu.memory_space<vmem>>, vector<1x16xf32>,
      %get3A_238 = vector.shape_cast %get3A_237 : vector<1x16xf32> to vector<16xf32>
      %add3A_239 = arith.addf %get3A_234, %get3A_238 : vector<16xf32>
      %swap3A = arith.index_cast %add3A_231 : i32 to index
      %swap3A_240 = arith.constant 0 : index
      %swap3A_241 = tpu.vector_load %arg11[%swap3A, %swap3A_240] {strides = array<i32>} : memref<200x64xf32, #tpu.memory_space<vmem>>, vector<1x16xf32>,
      %swap3A_242 = vector.shape_cast %swap3A_241 : vector<1x16xf32> to vector<16xf32>
      %swap3A_243 = vector.shape_cast %add3A_239 : vector<16xf32> to vector<1x16xf32>
      tpu.vector_store %arg11[%swap3A, %swap3A_240], %swap3A_243 {strides = array<i32>} : memref<200x64xf32, #tpu.memory_space<vmem>>, vector<1x16xf32>,
      %get3A_244 = arith.index_cast %add3A_231 : i32 to index
      %get3A_245 = arith.constant 16 : index
      %get3A_246 = tpu.vector_load %arg9[%get3A_244, %get3A_245] {strides = array<i32>} : memref<200x64xf32, #tpu.memory_space<vmem>>, vector<1x16xf32>,
      %get3A_247 = vector.shape_cast %get3A_246 : vector<1x16xf32> to vector<16xf32>
      %get3A_248 = arith.index_cast %add3A_231 : i32 to index
      %get3A_249 = arith.constant 16 : index
      %get3A_250 = tpu.vector_load %arg7[%get3A_248, %get3A_249] {strides = array<i32>} : memref<200x64xf32, #tpu.memory_space<vmem>>, vector<1x16xf32>,
      %get3A_251 = vector.shape_cast %get3A_250 : vector<1x16xf32> to vector<16xf32>
      %add3A_252 = arith.addf %get3A_247, %get3A_251 : vector<16xf32>
      %swap3A_253 = arith.index_cast %add3A_231 : i32 to index
      %swap3A_254 = arith.constant 16 : index
      %swap3A_255 = tpu.vector_load %arg11[%swap3A_253, %swap3A_254] {strides = array<i32>} : memref<200x64xf32, #tpu.memory_space<vmem>>, vector<1x16xf32>,
      %swap3A_256 = vector.shape_cast %swap3A_255 : vector<1x16xf32> to vector<16xf32>
      %swap3A_257 = vector.shape_cast %add3A_252 : vector<16xf32> to vector<1x16xf32>
      tpu.vector_store %arg11[%swap3A_253, %swap3A_254], %swap3A_257 {strides = array<i32>} : memref<200x64xf32, #tpu.memory_space<vmem>>, vector<1x16xf32>,
      %get3A_258 = arith.index_cast %add3A_231 : i32 to index
      %get3A_259 = arith.constant 32 : index
      %get3A_260 = tpu.vector_load %arg9[%get3A_258, %get3A_259] {strides = array<i32>} : memref<200x64xf32, #tpu.memory_space<vmem>>, vector<1x16xf32>,
      %get3A_261 = vector.shape_cast %get3A_260 : vector<1x16xf32> to vector<16xf32>
      %get3A_262 = arith.index_cast %add3A_231 : i32 to index
      %get3A_263 = arith.constant 32 : index
      %get3A_264 = tpu.vector_load %arg7[%get3A_262, %get3A_263] {strides = array<i32>} : memref<200x64xf32, #tpu.memory_space<vmem>>, vector<1x16xf32>,
      %get3A_265 = vector.shape_cast %get3A_264 : vector<1x16xf32> to vector<16xf32>
      %add3A_266 = arith.addf %get3A_261, %get3A_265 : vector<16xf32>
      %swap3A_267 = arith.index_cast %add3A_231 : i32 to index
      %swap3A_268 = arith.constant 32 : index
      %swap3A_269 = tpu.vector_load %arg11[%swap3A_267, %swap3A_268] {strides = array<i32>} : memref<200x64xf32, #tpu.memory_space<vmem>>, vector<1x16xf32>,
      %swap3A_270 = vector.shape_cast %swap3A_269 : vector<1x16xf32> to vector<16xf32>
      %swap3A_271 = vector.shape_cast %add3A_266 : vector<16xf32> to vector<1x16xf32>
      tpu.vector_store %arg11[%swap3A_267, %swap3A_268], %swap3A_271 {strides = array<i32>} : memref<200x64xf32, #tpu.memory_space<vmem>>, vector<1x16xf32>,
      %get3A_272 = arith.index_cast %add3A_231 : i32 to index
      %get3A_273 = arith.constant 48 : index
      %get3A_274 = tpu.vector_load %arg9[%get3A_272, %get3A_273] {strides = array<i32>} : memref<200x64xf32, #tpu.memory_space<vmem>>, vector<1x16xf32>,
      %get3A_275 = vector.shape_cast %get3A_274 : vector<1x16xf32> to vector<16xf32>
      %get3A_276 = arith.index_cast %add3A_231 : i32 to index
      %get3A_277 = arith.constant 48 : index
      %get3A_278 = tpu.vector_load %arg7[%get3A_276, %get3A_277] {strides = array<i32>} : memref<200x64xf32, #tpu.memory_space<vmem>>, vector<1x16xf32>,
      %get3A_279 = vector.shape_cast %get3A_278 : vector<1x16xf32> to vector<16xf32>
      %add3A_280 = arith.addf %get3A_275, %get3A_279 : vector<16xf32>
      %swap3A_281 = arith.index_cast %add3A_231 : i32 to index
      %swap3A_282 = arith.constant 48 : index
      %swap3A_283 = tpu.vector_load %arg11[%swap3A_281, %swap3A_282] {strides = array<i32>} : memref<200x64xf32, #tpu.memory_space<vmem>>, vector<1x16xf32>,
      %swap3A_284 = vector.shape_cast %swap3A_283 : vector<1x16xf32> to vector<16xf32>
      %swap3A_285 = vector.shape_cast %add3A_280 : vector<16xf32> to vector<1x16xf32>
      tpu.vector_store %arg11[%swap3A_281, %swap3A_282], %swap3A_285 {strides = array<i32>} : memref<200x64xf32, #tpu.memory_space<vmem>>, vector<1x16xf32>,
      %add3A_286 = arith.constant 1 : i32
      %add3A_287 = arith.addi %add3A_229, %add3A_286 : i32
      %get3A_288 = arith.index_cast %add3A_287 : i32 to index
      %get3A_289 = arith.constant 0 : index
      %get3A_290 = tpu.vector_load %arg9[%get3A_288, %get3A_289] {strides = array<i32>} : memref<200x64xf32, #tpu.memory_space<vmem>>, vector<1x16xf32>,
      %get3A_291 = vector.shape_cast %get3A_290 : vector<1x16xf32> to vector<16xf32>
      %get3A_292 = arith.index_cast %add3A_287 : i32 to index
      %get3A_293 = arith.constant 0 : index
      %get3A_294 = tpu.vector_load %arg7[%get3A_292, %get3A_293] {strides = array<i32>} : memref<200x64xf32, #tpu.memory_space<vmem>>, vector<1x16xf32>,
      %get3A_295 = vector.shape_cast %get3A_294 : vector<1x16xf32> to vector<16xf32>
      %add3A_296 = arith.addf %get3A_291, %get3A_295 : vector<16xf32>
      %swap3A_297 = arith.index_cast %add3A_287 : i32 to index
      %swap3A_298 = arith.constant 0 : index
      %swap3A_299 = tpu.vector_load %arg11[%swap3A_297, %swap3A_298] {strides = array<i32>} : memref<200x64xf32, #tpu.memory_space<vmem>>, vector<1x16xf32>,
      %swap3A_300 = vector.shape_cast %swap3A_299 : vector<1x16xf32> to vector<16xf32>
      %swap3A_301 = vector.shape_cast %add3A_296 : vector<16xf32> to vector<1x16xf32>
      tpu.vector_store %arg11[%swap3A_297, %swap3A_298], %swap3A_301 {strides = array<i32>} : memref<200x64xf32, #tpu.memory_space<vmem>>, vector<1x16xf32>,
      %get3A_302 = arith.index_cast %add3A_287 : i32 to index
      %get3A_303 = arith.constant 16 : index
      %get3A_304 = tpu.vector_load %arg9[%get3A_302, %get3A_303] {strides = array<i32>} : memref<200x64xf32, #tpu.memory_space<vmem>>, vector<1x16xf32>,
      %get3A_305 = vector.shape_cast %get3A_304 : vector<1x16xf32> to vector<16xf32>
      %get3A_306 = arith.index_cast %add3A_287 : i32 to index
      %get3A_307 = arith.constant 16 : index
      %get3A_308 = tpu.vector_load %arg7[%get3A_306, %get3A_307] {strides = array<i32>} : memref<200x64xf32, #tpu.memory_space<vmem>>, vector<1x16xf32>,
      %get3A_309 = vector.shape_cast %get3A_308 : vector<1x16xf32> to vector<16xf32>
      %add3A_310 = arith.addf %get3A_305, %get3A_309 : vector<16xf32>
      %swap3A_311 = arith.index_cast %add3A_287 : i32 to index
      %swap3A_312 = arith.constant 16 : index
      %swap3A_313 = tpu.vector_load %arg11[%swap3A_311, %swap3A_312] {strides = array<i32>} : memref<200x64xf32, #tpu.memory_space<vmem>>, vector<1x16xf32>,
      %swap3A_314 = vector.shape_cast %swap3A_313 : vector<1x16xf32> to vector<16xf32>
      %swap3A_315 = vector.shape_cast %add3A_310 : vector<16xf32> to vector<1x16xf32>
      tpu.vector_store %arg11[%swap3A_311, %swap3A_312], %swap3A_315 {strides = array<i32>} : memref<200x64xf32, #tpu.memory_space<vmem>>, vector<1x16xf32>,
      %get3A_316 = arith.index_cast %add3A_287 : i32 to index
      %get3A_317 = arith.constant 32 : index
      %get3A_318 = tpu.vector_load %arg9[%get3A_316, %get3A_317] {strides = array<i32>} : memref<200x64xf32, #tpu.memory_space<vmem>>, vector<1x16xf32>,
      %get3A_319 = vector.shape_cast %get3A_318 : vector<1x16xf32> to vector<16xf32>
      %get3A_320 = arith.index_cast %add3A_287 : i32 to index
      %get3A_321 = arith.constant 32 : index
      %get3A_322 = tpu.vector_load %arg7[%get3A_320, %get3A_321] {strides = array<i32>} : memref<200x64xf32, #tpu.memory_space<vmem>>, vector<1x16xf32>,
      %get3A_323 = vector.shape_cast %get3A_322 : vector<1x16xf32> to vector<16xf32>
      %add3A_324 = arith.addf %get3A_319, %get3A_323 : vector<16xf32>
      %swap3A_325 = arith.index_cast %add3A_287 : i32 to index
      %swap3A_326 = arith.constant 32 : index
      %swap3A_327 = tpu.vector_load %arg11[%swap3A_325, %swap3A_326] {strides = array<i32>} : memref<200x64xf32, #tpu.memory_space<vmem>>, vector<1x16xf32>,
      %swap3A_328 = vector.shape_cast %swap3A_327 : vector<1x16xf32> to vector<16xf32>
      %swap3A_329 = vector.shape_cast %add3A_324 : vector<16xf32> to vector<1x16xf32>
      tpu.vector_store %arg11[%swap3A_325, %swap3A_326], %swap3A_329 {strides = array<i32>} : memref<200x64xf32, #tpu.memory_space<vmem>>, vector<1x16xf32>,
      %get3A_330 = arith.index_cast %add3A_287 : i32 to index
      %get3A_331 = arith.constant 48 : index
      %get3A_332 = tpu.vector_load %arg9[%get3A_330, %get3A_331] {strides = array<i32>} : memref<200x64xf32, #tpu.memory_space<vmem>>, vector<1x16xf32>,
      %get3A_333 = vector.shape_cast %get3A_332 : vector<1x16xf32> to vector<16xf32>
      %get3A_334 = arith.index_cast %add3A_287 : i32 to index
      %get3A_335 = arith.constant 48 : index
      %get3A_336 = tpu.vector_load %arg7[%get3A_334, %get3A_335] {strides = array<i32>} : memref<200x64xf32, #tpu.memory_space<vmem>>, vector<1x16xf32>,
      %get3A_337 = vector.shape_cast %get3A_336 : vector<1x16xf32> to vector<16xf32>
      %add3A_338 = arith.addf %get3A_333, %get3A_337 : vector<16xf32>
      %swap3A_339 = arith.index_cast %add3A_287 : i32 to index
      %swap3A_340 = arith.constant 48 : index
      %swap3A_341 = tpu.vector_load %arg11[%swap3A_339, %swap3A_340] {strides = array<i32>} : memref<200x64xf32, #tpu.memory_space<vmem>>, vector<1x16xf32>,
      %swap3A_342 = vector.shape_cast %swap3A_341 : vector<1x16xf32> to vector<16xf32>
      %swap3A_343 = vector.shape_cast %add3A_338 : vector<16xf32> to vector<1x16xf32>
      tpu.vector_store %arg11[%swap3A_339, %swap3A_340], %swap3A_343 {strides = array<i32>} : memref<200x64xf32, #tpu.memory_space<vmem>>, vector<1x16xf32>,
    }
    %scan3A_93 = arith.constant 100 : i32
    %mul3A_94 = arith.constant 32 : i32
    %mul3A_95 = arith.muli %add3A, %mul3A_94 : i32
    %add3A_96 = arith.constant 1 : i32
    %add3A_97 = arith.addi %mul3A_95, %add3A_96 : i32
    %dma_start3A_98 = arith.constant 0 : i32
    %dma_start3A_99 = arith.constant 0 : i32
    %dma_start3A_100 = tpu.memref_slice %arg5[%add3A_97, %dma_start3A_98, %dma_start3A_99] : memref<1024x200x64xf32, #tpu.memory_space<hbm>> -> memref<1x200x64xf32, #tpu.memory_space<hbm>>
    %dma_start3A_101 = tpu.memref_squeeze %dma_start3A_100 : memref<1x200x64xf32, #tpu.memory_space<hbm>> -> memref<200x64xf32, #tpu.memory_space<hbm>>
    %dma_start3A_102 = arith.constant 0 : i32
    %dma_start3A_103 = arith.constant 0 : i32
    %dma_start3A_104 = tpu.memref_slice %arg5[%add3A_97, %dma_start3A_102, %dma_start3A_103] : memref<1024x200x64xf32, #tpu.memory_space<hbm>> -> memref<1x200x64xf32, #tpu.memory_space<hbm>>
    %dma_start3A_105 = tpu.memref_squeeze %dma_start3A_104 : memref<1x200x64xf32, #tpu.memory_space<hbm>> -> memref<200x64xf32, #tpu.memory_space<hbm>>
    tpu.enqueue_dma source(%arg11 : memref<200x64xf32, #tpu.memory_space<vmem>>) target(%dma_start3A_105 : memref<200x64xf32, #tpu.memory_space<hbm>>) target_semaphore(%arg15 : memref<!tpu.dma_semaphore, #tpu.memory_space<semaphore_mem>>)
    %dma_start3A_106 = arith.constant 3 : i32
    %dma_start3A_107 = arith.constant 0 : i32
    %dma_start3A_108 = arith.constant 0 : i32
    %dma_start3A_109 = tpu.memref_slice %arg9[%dma_start3A_107, %dma_start3A_108] : memref<200x64xf32, #tpu.memory_space<vmem>> -> memref<128x64xf32, #tpu.memory_space<vmem>>
    %dma_start3A_110 = arith.constant 0 : i32
    %dma_start3A_111 = tpu.memref_slice %arg6[%dma_start3A_106, %dma_start3A_110] : memref<32x200xi32, #tpu.memory_space<vmem>> -> memref<1x128xi32, #tpu.memory_space<vmem>>
    %dma_start3A_112 = tpu.memref_squeeze %dma_start3A_111 : memref<1x128xi32, #tpu.memory_space<vmem>> -> memref<128xi32, #tpu.memory_space<vmem>>
    %dma_start3A_113 = arith.constant 0 : i32
    %dma_start3A_114 = arith.constant 0 : i32
    %dma_start3A_115 = tpu.memref_slice %arg2[%dma_start3A_113, %dma_start3A_114] : memref<1000000x64xf32, #tpu.memory_space<hbm>> -> memref<1000000x64xf32, #tpu.memory_space<hbm>>
    tpu.enqueue_indirect_dma source(%dma_start3A_115 : memref<1000000x64xf32, #tpu.memory_space<hbm>>) target(%dma_start3A_109 : memref<128x64xf32, #tpu.memory_space<vmem>>) offsets(%dma_start3A_112 : memref<128xi32, #tpu.memory_space<vmem>>) semaphore(%arg13 : memref<!tpu.dma_semaphore, #tpu.memory_space<semaphore_mem>>)
    %dma_start3A_116 = arith.constant 3 : i32
    %dma_start3A_117 = arith.constant 128 : i32
    %dma_start3A_118 = arith.constant 0 : i32
    %dma_start3A_119 = tpu.memref_slice %arg9[%dma_start3A_117, %dma_start3A_118] : memref<200x64xf32, #tpu.memory_space<vmem>> -> memref<72x64xf32, #tpu.memory_space<vmem>>
    %dma_start3A_120 = arith.constant 128 : i32
    %dma_start3A_121 = tpu.memref_slice %arg6[%dma_start3A_116, %dma_start3A_120] : memref<32x200xi32, #tpu.memory_space<vmem>> -> memref<1x72xi32, #tpu.memory_space<vmem>>
    %dma_start3A_122 = tpu.memref_squeeze %dma_start3A_121 : memref<1x72xi32, #tpu.memory_space<vmem>> -> memref<72xi32, #tpu.memory_space<vmem>>
    %dma_start3A_123 = arith.constant 0 : i32
    %dma_start3A_124 = arith.constant 0 : i32
    %dma_start3A_125 = tpu.memref_slice %arg2[%dma_start3A_123, %dma_start3A_124] : memref<1000000x64xf32, #tpu.memory_space<hbm>> -> memref<1000000x64xf32, #tpu.memory_space<hbm>>
    tpu.enqueue_indirect_dma source(%dma_start3A_125 : memref<1000000x64xf32, #tpu.memory_space<hbm>>) target(%dma_start3A_119 : memref<72x64xf32, #tpu.memory_space<vmem>>) offsets(%dma_start3A_122 : memref<72xi32, #tpu.memory_space<vmem>>) semaphore(%arg13 : memref<!tpu.dma_semaphore, #tpu.memory_space<semaphore_mem>>)
    %scan3A_126 = arith.constant 0 : i32
    %scan3A_127 = arith.constant 14 : i32
    %scan3A_128 = arith.addi %scan3A_126, %scan3A_127 : i32
    %scan3A_129 = arith.constant 1 : i32
    scf.for %scan3A_225 = %scan3A_126 to %scan3A_128 step %scan3A_129  : i32 {
      %mul3A_226 = arith.constant 2 : i32
      %mul3A_227 = arith.muli %scan3A_225, %mul3A_226 : i32
      %add3A_228 = arith.constant 2 : i32
      %add3A_229 = arith.addi %add3A_228, %mul3A_227 : i32
      %add3A_230 = arith.constant 0 : i32
      %add3A_231 = arith.addi %add3A_229, %add3A_230 : i32
      %dma_wait3A_232 = arith.constant 0 : i32
      %dma_wait3A_233 = arith.constant 0 : i32
      %dma_wait3A_234 = tpu.memref_slice %arg2[%dma_wait3A_232, %dma_wait3A_233] : memref<1000000x64xf32, #tpu.memory_space<hbm>> -> memref<200x64xf32, #tpu.memory_space<hbm>>
      %dma_wait3A_235 = arith.constant 0 : i32
      %dma_wait3A_236 = arith.constant 0 : i32
      %dma_wait3A_237 = tpu.memref_slice %arg2[%dma_wait3A_235, %dma_wait3A_236] : memref<1000000x64xf32, #tpu.memory_space<hbm>> -> memref<200x64xf32, #tpu.memory_space<hbm>>
      tpu.wait_dma2 semaphore(%arg12 : memref<!tpu.dma_semaphore, #tpu.memory_space<semaphore_mem>>) src(%dma_wait3A_237 : memref<200x64xf32, #tpu.memory_space<hbm>>) dst(%arg8 : memref<200x64xf32, #tpu.memory_space<vmem>>)
      %scan3A_238 = arith.constant 0 : i32
      %scan3A_239 = arith.constant 100 : i32
      %scan3A_240 = arith.addi %scan3A_238, %scan3A_239 : i32
      %scan3A_241 = arith.constant 1 : i32
      scf.for %scan3A_343 = %scan3A_238 to %scan3A_240 step %scan3A_241  : i32 {
        %mul3A_344 = arith.constant 2 : i32
        %mul3A_345 = arith.muli %scan3A_343, %mul3A_344 : i32
        %add3A_346 = arith.constant 0 : i32
        %add3A_347 = arith.addi %add3A_346, %mul3A_345 : i32
        %add3A_348 = arith.constant 0 : i32
        %add3A_349 = arith.addi %add3A_347, %add3A_348 : i32
        %get3A = arith.index_cast %add3A_349 : i32 to index
        %get3A_350 = arith.constant 0 : index
        %get3A_351 = tpu.vector_load %arg8[%get3A, %get3A_350] {strides = array<i32>} : memref<200x64xf32, #tpu.memory_space<vmem>>, vector<1x16xf32>,
        %get3A_352 = vector.shape_cast %get3A_351 : vector<1x16xf32> to vector<16xf32>
        %get3A_353 = arith.index_cast %add3A_349 : i32 to index
        %get3A_354 = arith.constant 0 : index
        %get3A_355 = tpu.vector_load %arg7[%get3A_353, %get3A_354] {strides = array<i32>} : memref<200x64xf32, #tpu.memory_space<vmem>>, vector<1x16xf32>,
        %get3A_356 = vector.shape_cast %get3A_355 : vector<1x16xf32> to vector<16xf32>
        %add3A_357 = arith.addf %get3A_352, %get3A_356 : vector<16xf32>
        %swap3A = arith.index_cast %add3A_349 : i32 to index
        %swap3A_358 = arith.constant 0 : index
        %swap3A_359 = tpu.vector_load %arg10[%swap3A, %swap3A_358] {strides = array<i32>} : memref<200x64xf32, #tpu.memory_space<vmem>>, vector<1x16xf32>,
        %swap3A_360 = vector.shape_cast %swap3A_359 : vector<1x16xf32> to vector<16xf32>
        %swap3A_361 = vector.shape_cast %add3A_357 : vector<16xf32> to vector<1x16xf32>
        tpu.vector_store %arg10[%swap3A, %swap3A_358], %swap3A_361 {strides = array<i32>} : memref<200x64xf32, #tpu.memory_space<vmem>>, vector<1x16xf32>,
        %get3A_362 = arith.index_cast %add3A_349 : i32 to index
        %get3A_363 = arith.constant 16 : index
        %get3A_364 = tpu.vector_load %arg8[%get3A_362, %get3A_363] {strides = array<i32>} : memref<200x64xf32, #tpu.memory_space<vmem>>, vector<1x16xf32>,
        %get3A_365 = vector.shape_cast %get3A_364 : vector<1x16xf32> to vector<16xf32>
        %get3A_366 = arith.index_cast %add3A_349 : i32 to index
        %get3A_367 = arith.constant 16 : index
        %get3A_368 = tpu.vector_load %arg7[%get3A_366, %get3A_367] {strides = array<i32>} : memref<200x64xf32, #tpu.memory_space<vmem>>, vector<1x16xf32>,
        %get3A_369 = vector.shape_cast %get3A_368 : vector<1x16xf32> to vector<16xf32>
        %add3A_370 = arith.addf %get3A_365, %get3A_369 : vector<16xf32>
        %swap3A_371 = arith.index_cast %add3A_349 : i32 to index
        %swap3A_372 = arith.constant 16 : index
        %swap3A_373 = tpu.vector_load %arg10[%swap3A_371, %swap3A_372] {strides = array<i32>} : memref<200x64xf32, #tpu.memory_space<vmem>>, vector<1x16xf32>,
        %swap3A_374 = vector.shape_cast %swap3A_373 : vector<1x16xf32> to vector<16xf32>
        %swap3A_375 = vector.shape_cast %add3A_370 : vector<16xf32> to vector<1x16xf32>
        tpu.vector_store %arg10[%swap3A_371, %swap3A_372], %swap3A_375 {strides = array<i32>} : memref<200x64xf32, #tpu.memory_space<vmem>>, vector<1x16xf32>,
        %get3A_376 = arith.index_cast %add3A_349 : i32 to index
        %get3A_377 = arith.constant 32 : index
        %get3A_378 = tpu.vector_load %arg8[%get3A_376, %get3A_377] {strides = array<i32>} : memref<200x64xf32, #tpu.memory_space<vmem>>, vector<1x16xf32>,
        %get3A_379 = vector.shape_cast %get3A_378 : vector<1x16xf32> to vector<16xf32>
        %get3A_380 = arith.index_cast %add3A_349 : i32 to index
        %get3A_381 = arith.constant 32 : index
        %get3A_382 = tpu.vector_load %arg7[%get3A_380, %get3A_381] {strides = array<i32>} : memref<200x64xf32, #tpu.memory_space<vmem>>, vector<1x16xf32>,
        %get3A_383 = vector.shape_cast %get3A_382 : vector<1x16xf32> to vector<16xf32>
        %add3A_384 = arith.addf %get3A_379, %get3A_383 : vector<16xf32>
        %swap3A_385 = arith.index_cast %add3A_349 : i32 to index
        %swap3A_386 = arith.constant 32 : index
        %swap3A_387 = tpu.vector_load %arg10[%swap3A_385, %swap3A_386] {strides = array<i32>} : memref<200x64xf32, #tpu.memory_space<vmem>>, vector<1x16xf32>,
        %swap3A_388 = vector.shape_cast %swap3A_387 : vector<1x16xf32> to vector<16xf32>
        %swap3A_389 = vector.shape_cast %add3A_384 : vector<16xf32> to vector<1x16xf32>
        tpu.vector_store %arg10[%swap3A_385, %swap3A_386], %swap3A_389 {strides = array<i32>} : memref<200x64xf32, #tpu.memory_space<vmem>>, vector<1x16xf32>,
        %get3A_390 = arith.index_cast %add3A_349 : i32 to index
        %get3A_391 = arith.constant 48 : index
        %get3A_392 = tpu.vector_load %arg8[%get3A_390, %get3A_391] {strides = array<i32>} : memref<200x64xf32, #tpu.memory_space<vmem>>, vector<1x16xf32>,
        %get3A_393 = vector.shape_cast %get3A_392 : vector<1x16xf32> to vector<16xf32>
        %get3A_394 = arith.index_cast %add3A_349 : i32 to index
        %get3A_395 = arith.constant 48 : index
        %get3A_396 = tpu.vector_load %arg7[%get3A_394, %get3A_395] {strides = array<i32>} : memref<200x64xf32, #tpu.memory_space<vmem>>, vector<1x16xf32>,
        %get3A_397 = vector.shape_cast %get3A_396 : vector<1x16xf32> to vector<16xf32>
        %add3A_398 = arith.addf %get3A_393, %get3A_397 : vector<16xf32>
        %swap3A_399 = arith.index_cast %add3A_349 : i32 to index
        %swap3A_400 = arith.constant 48 : index
        %swap3A_401 = tpu.vector_load %arg10[%swap3A_399, %swap3A_400] {strides = array<i32>} : memref<200x64xf32, #tpu.memory_space<vmem>>, vector<1x16xf32>,
        %swap3A_402 = vector.shape_cast %swap3A_401 : vector<1x16xf32> to vector<16xf32>
        %swap3A_403 = vector.shape_cast %add3A_398 : vector<16xf32> to vector<1x16xf32>
        tpu.vector_store %arg10[%swap3A_399, %swap3A_400], %swap3A_403 {strides = array<i32>} : memref<200x64xf32, #tpu.memory_space<vmem>>, vector<1x16xf32>,
        %add3A_404 = arith.constant 1 : i32
        %add3A_405 = arith.addi %add3A_347, %add3A_404 : i32
        %get3A_406 = arith.index_cast %add3A_405 : i32 to index
        %get3A_407 = arith.constant 0 : index
        %get3A_408 = tpu.vector_load %arg8[%get3A_406, %get3A_407] {strides = array<i32>} : memref<200x64xf32, #tpu.memory_space<vmem>>, vector<1x16xf32>,
        %get3A_409 = vector.shape_cast %get3A_408 : vector<1x16xf32> to vector<16xf32>
        %get3A_410 = arith.index_cast %add3A_405 : i32 to index
        %get3A_411 = arith.constant 0 : index
        %get3A_412 = tpu.vector_load %arg7[%get3A_410, %get3A_411] {strides = array<i32>} : memref<200x64xf32, #tpu.memory_space<vmem>>, vector<1x16xf32>,
        %get3A_413 = vector.shape_cast %get3A_412 : vector<1x16xf32> to vector<16xf32>
        %add3A_414 = arith.addf %get3A_409, %get3A_413 : vector<16xf32>
        %swap3A_415 = arith.index_cast %add3A_405 : i32 to index
        %swap3A_416 = arith.constant 0 : index
        %swap3A_417 = tpu.vector_load %arg10[%swap3A_415, %swap3A_416] {strides = array<i32>} : memref<200x64xf32, #tpu.memory_space<vmem>>, vector<1x16xf32>,
        %swap3A_418 = vector.shape_cast %swap3A_417 : vector<1x16xf32> to vector<16xf32>
        %swap3A_419 = vector.shape_cast %add3A_414 : vector<16xf32> to vector<1x16xf32>
        tpu.vector_store %arg10[%swap3A_415, %swap3A_416], %swap3A_419 {strides = array<i32>} : memref<200x64xf32, #tpu.memory_space<vmem>>, vector<1x16xf32>,
        %get3A_420 = arith.index_cast %add3A_405 : i32 to index
        %get3A_421 = arith.constant 16 : index
        %get3A_422 = tpu.vector_load %arg8[%get3A_420, %get3A_421] {strides = array<i32>} : memref<200x64xf32, #tpu.memory_space<vmem>>, vector<1x16xf32>,
        %get3A_423 = vector.shape_cast %get3A_422 : vector<1x16xf32> to vector<16xf32>
        %get3A_424 = arith.index_cast %add3A_405 : i32 to index
        %get3A_425 = arith.constant 16 : index
        %get3A_426 = tpu.vector_load %arg7[%get3A_424, %get3A_425] {strides = array<i32>} : memref<200x64xf32, #tpu.memory_space<vmem>>, vector<1x16xf32>,
        %get3A_427 = vector.shape_cast %get3A_426 : vector<1x16xf32> to vector<16xf32>
        %add3A_428 = arith.addf %get3A_423, %get3A_427 : vector<16xf32>
        %swap3A_429 = arith.index_cast %add3A_405 : i32 to index
        %swap3A_430 = arith.constant 16 : index
        %swap3A_431 = tpu.vector_load %arg10[%swap3A_429, %swap3A_430] {strides = array<i32>} : memref<200x64xf32, #tpu.memory_space<vmem>>, vector<1x16xf32>,
        %swap3A_432 = vector.shape_cast %swap3A_431 : vector<1x16xf32> to vector<16xf32>
        %swap3A_433 = vector.shape_cast %add3A_428 : vector<16xf32> to vector<1x16xf32>
        tpu.vector_store %arg10[%swap3A_429, %swap3A_430], %swap3A_433 {strides = array<i32>} : memref<200x64xf32, #tpu.memory_space<vmem>>, vector<1x16xf32>,
        %get3A_434 = arith.index_cast %add3A_405 : i32 to index
        %get3A_435 = arith.constant 32 : index
        %get3A_436 = tpu.vector_load %arg8[%get3A_434, %get3A_435] {strides = array<i32>} : memref<200x64xf32, #tpu.memory_space<vmem>>, vector<1x16xf32>,
        %get3A_437 = vector.shape_cast %get3A_436 : vector<1x16xf32> to vector<16xf32>
        %get3A_438 = arith.index_cast %add3A_405 : i32 to index
        %get3A_439 = arith.constant 32 : index
        %get3A_440 = tpu.vector_load %arg7[%get3A_438, %get3A_439] {strides = array<i32>} : memref<200x64xf32, #tpu.memory_space<vmem>>, vector<1x16xf32>,
        %get3A_441 = vector.shape_cast %get3A_440 : vector<1x16xf32> to vector<16xf32>
        %add3A_442 = arith.addf %get3A_437, %get3A_441 : vector<16xf32>
        %swap3A_443 = arith.index_cast %add3A_405 : i32 to index
        %swap3A_444 = arith.constant 32 : index
        %swap3A_445 = tpu.vector_load %arg10[%swap3A_443, %swap3A_444] {strides = array<i32>} : memref<200x64xf32, #tpu.memory_space<vmem>>, vector<1x16xf32>,
        %swap3A_446 = vector.shape_cast %swap3A_445 : vector<1x16xf32> to vector<16xf32>
        %swap3A_447 = vector.shape_cast %add3A_442 : vector<16xf32> to vector<1x16xf32>
        tpu.vector_store %arg10[%swap3A_443, %swap3A_444], %swap3A_447 {strides = array<i32>} : memref<200x64xf32, #tpu.memory_space<vmem>>, vector<1x16xf32>,
        %get3A_448 = arith.index_cast %add3A_405 : i32 to index
        %get3A_449 = arith.constant 48 : index
        %get3A_450 = tpu.vector_load %arg8[%get3A_448, %get3A_449] {strides = array<i32>} : memref<200x64xf32, #tpu.memory_space<vmem>>, vector<1x16xf32>,
        %get3A_451 = vector.shape_cast %get3A_450 : vector<1x16xf32> to vector<16xf32>
        %get3A_452 = arith.index_cast %add3A_405 : i32 to index
        %get3A_453 = arith.constant 48 : index
        %get3A_454 = tpu.vector_load %arg7[%get3A_452, %get3A_453] {strides = array<i32>} : memref<200x64xf32, #tpu.memory_space<vmem>>, vector<1x16xf32>,
        %get3A_455 = vector.shape_cast %get3A_454 : vector<1x16xf32> to vector<16xf32>
        %add3A_456 = arith.addf %get3A_451, %get3A_455 : vector<16xf32>
        %swap3A_457 = arith.index_cast %add3A_405 : i32 to index
        %swap3A_458 = arith.constant 48 : index
        %swap3A_459 = tpu.vector_load %arg10[%swap3A_457, %swap3A_458] {strides = array<i32>} : memref<200x64xf32, #tpu.memory_space<vmem>>, vector<1x16xf32>,
        %swap3A_460 = vector.shape_cast %swap3A_459 : vector<1x16xf32> to vector<16xf32>
        %swap3A_461 = vector.shape_cast %add3A_456 : vector<16xf32> to vector<1x16xf32>
        tpu.vector_store %arg10[%swap3A_457, %swap3A_458], %swap3A_461 {strides = array<i32>} : memref<200x64xf32, #tpu.memory_space<vmem>>, vector<1x16xf32>,
      }
      %scan3A_242 = arith.constant 100 : i32
      %sub3A = arith.constant 2 : i32
      %sub3A_243 = arith.subi %add3A_231, %sub3A : i32
      %mul3A_244 = arith.constant 32 : i32
      %mul3A_245 = arith.muli %add3A, %mul3A_244 : i32
      %add3A_246 = arith.addi %mul3A_245, %sub3A_243 : i32
      %dma_wait3A_247 = arith.constant 0 : i32
      %dma_wait3A_248 = arith.constant 0 : i32
      %dma_wait3A_249 = tpu.memref_slice %arg5[%add3A_246, %dma_wait3A_247, %dma_wait3A_248] : memref<1024x200x64xf32, #tpu.memory_space<hbm>> -> memref<1x200x64xf32, #tpu.memory_space<hbm>>
      %dma_wait3A_250 = tpu.memref_squeeze %dma_wait3A_249 : memref<1x200x64xf32, #tpu.memory_space<hbm>> -> memref<200x64xf32, #tpu.memory_space<hbm>>
      %dma_wait3A_251 = arith.constant 0 : i32
      %dma_wait3A_252 = arith.constant 0 : i32
      %dma_wait3A_253 = tpu.memref_slice %arg5[%add3A_246, %dma_wait3A_251, %dma_wait3A_252] : memref<1024x200x64xf32, #tpu.memory_space<hbm>> -> memref<1x200x64xf32, #tpu.memory_space<hbm>>
      %dma_wait3A_254 = tpu.memref_squeeze %dma_wait3A_253 : memref<1x200x64xf32, #tpu.memory_space<hbm>> -> memref<200x64xf32, #tpu.memory_space<hbm>>
      tpu.wait_dma2 semaphore(%arg14 : memref<!tpu.dma_semaphore, #tpu.memory_space<semaphore_mem>>) src(%arg10 : memref<200x64xf32, #tpu.memory_space<vmem>>) dst(%dma_wait3A_254 : memref<200x64xf32, #tpu.memory_space<hbm>>)
      %mul3A_255 = arith.constant 32 : i32
      %mul3A_256 = arith.muli %add3A, %mul3A_255 : i32
      %add3A_257 = arith.addi %mul3A_256, %add3A_231 : i32
      %dma_start3A_258 = arith.constant 0 : i32
      %dma_start3A_259 = arith.constant 0 : i32
      %dma_start3A_260 = tpu.memref_slice %arg5[%add3A_257, %dma_start3A_258, %dma_start3A_259] : memref<1024x200x64xf32, #tpu.memory_space<hbm>> -> memref<1x200x64xf32, #tpu.memory_space<hbm>>
      %dma_start3A_261 = tpu.memref_squeeze %dma_start3A_260 : memref<1x200x64xf32, #tpu.memory_space<hbm>> -> memref<200x64xf32, #tpu.memory_space<hbm>>
      %dma_start3A_262 = arith.constant 0 : i32
      %dma_start3A_263 = arith.constant 0 : i32
      %dma_start3A_264 = tpu.memref_slice %arg5[%add3A_257, %dma_start3A_262, %dma_start3A_263] : memref<1024x200x64xf32, #tpu.memory_space<hbm>> -> memref<1x200x64xf32, #tpu.memory_space<hbm>>
      %dma_start3A_265 = tpu.memref_squeeze %dma_start3A_264 : memref<1x200x64xf32, #tpu.memory_space<hbm>> -> memref<200x64xf32, #tpu.memory_space<hbm>>
      tpu.enqueue_dma source(%arg10 : memref<200x64xf32, #tpu.memory_space<vmem>>) target(%dma_start3A_265 : memref<200x64xf32, #tpu.memory_space<hbm>>) target_semaphore(%arg14 : memref<!tpu.dma_semaphore, #tpu.memory_space<semaphore_mem>>)
      %add3A_266 = arith.constant 2 : i32
      %add3A_267 = arith.addi %add3A_231, %add3A_266 : i32
      %dma_start3A_268 = arith.constant 0 : i32
      %dma_start3A_269 = arith.constant 0 : i32
      %dma_start3A_270 = tpu.memref_slice %arg8[%dma_start3A_268, %dma_start3A_269] : memref<200x64xf32, #tpu.memory_space<vmem>> -> memref<128x64xf32, #tpu.memory_space<vmem>>
      %dma_start3A_271 = arith.constant 0 : i32
      %dma_start3A_272 = tpu.memref_slice %arg6[%add3A_267, %dma_start3A_271] : memref<32x200xi32, #tpu.memory_space<vmem>> -> memref<1x128xi32, #tpu.memory_space<vmem>>
      %dma_start3A_273 = tpu.memref_squeeze %dma_start3A_272 : memref<1x128xi32, #tpu.memory_space<vmem>> -> memref<128xi32, #tpu.memory_space<vmem>>
      %dma_start3A_274 = arith.constant 0 : i32
      %dma_start3A_275 = arith.constant 0 : i32
      %dma_start3A_276 = tpu.memref_slice %arg2[%dma_start3A_274, %dma_start3A_275] : memref<1000000x64xf32, #tpu.memory_space<hbm>> -> memref<1000000x64xf32, #tpu.memory_space<hbm>>
      tpu.enqueue_indirect_dma source(%dma_start3A_276 : memref<1000000x64xf32, #tpu.memory_space<hbm>>) target(%dma_start3A_270 : memref<128x64xf32, #tpu.memory_space<vmem>>) offsets(%dma_start3A_273 : memref<128xi32, #tpu.memory_space<vmem>>) semaphore(%arg12 : memref<!tpu.dma_semaphore, #tpu.memory_space<semaphore_mem>>)
      %dma_start3A_277 = arith.constant 128 : i32
      %dma_start3A_278 = arith.constant 0 : i32
      %dma_start3A_279 = tpu.memref_slice %arg8[%dma_start3A_277, %dma_start3A_278] : memref<200x64xf32, #tpu.memory_space<vmem>> -> memref<72x64xf32, #tpu.memory_space<vmem>>
      %dma_start3A_280 = arith.constant 128 : i32
      %dma_start3A_281 = tpu.memref_slice %arg6[%add3A_267, %dma_start3A_280] : memref<32x200xi32, #tpu.memory_space<vmem>> -> memref<1x72xi32, #tpu.memory_space<vmem>>
      %dma_start3A_282 = tpu.memref_squeeze %dma_start3A_281 : memref<1x72xi32, #tpu.memory_space<vmem>> -> memref<72xi32, #tpu.memory_space<vmem>>
      %dma_start3A_283 = arith.constant 0 : i32
      %dma_start3A_284 = arith.constant 0 : i32
      %dma_start3A_285 = tpu.memref_slice %arg2[%dma_start3A_283, %dma_start3A_284] : memref<1000000x64xf32, #tpu.memory_space<hbm>> -> memref<1000000x64xf32, #tpu.memory_space<hbm>>
      tpu.enqueue_indirect_dma source(%dma_start3A_285 : memref<1000000x64xf32, #tpu.memory_space<hbm>>) target(%dma_start3A_279 : memref<72x64xf32, #tpu.memory_space<vmem>>) offsets(%dma_start3A_282 : memref<72xi32, #tpu.memory_space<vmem>>) semaphore(%arg12 : memref<!tpu.dma_semaphore, #tpu.memory_space<semaphore_mem>>)
      %add3A_286 = arith.constant 1 : i32
      %add3A_287 = arith.addi %add3A_229, %add3A_286 : i32
      %dma_wait3A_288 = arith.constant 0 : i32
      %dma_wait3A_289 = arith.constant 0 : i32
      %dma_wait3A_290 = tpu.memref_slice %arg2[%dma_wait3A_288, %dma_wait3A_289] : memref<1000000x64xf32, #tpu.memory_space<hbm>> -> memref<200x64xf32, #tpu.memory_space<hbm>>
      %dma_wait3A_291 = arith.constant 0 : i32
      %dma_wait3A_292 = arith.constant 0 : i32
      %dma_wait3A_293 = tpu.memref_slice %arg2[%dma_wait3A_291, %dma_wait3A_292] : memref<1000000x64xf32, #tpu.memory_space<hbm>> -> memref<200x64xf32, #tpu.memory_space<hbm>>
      tpu.wait_dma2 semaphore(%arg13 : memref<!tpu.dma_semaphore, #tpu.memory_space<semaphore_mem>>) src(%dma_wait3A_293 : memref<200x64xf32, #tpu.memory_space<hbm>>) dst(%arg9 : memref<200x64xf32, #tpu.memory_space<vmem>>)
      %scan3A_294 = arith.constant 0 : i32
      %scan3A_295 = arith.constant 100 : i32
      %scan3A_296 = arith.addi %scan3A_294, %scan3A_295 : i32
      %scan3A_297 = arith.constant 1 : i32
      scf.for %scan3A_343 = %scan3A_294 to %scan3A_296 step %scan3A_297  : i32 {
        %mul3A_344 = arith.constant 2 : i32
        %mul3A_345 = arith.muli %scan3A_343, %mul3A_344 : i32
        %add3A_346 = arith.constant 0 : i32
        %add3A_347 = arith.addi %add3A_346, %mul3A_345 : i32
        %add3A_348 = arith.constant 0 : i32
        %add3A_349 = arith.addi %add3A_347, %add3A_348 : i32
        %get3A = arith.index_cast %add3A_349 : i32 to index
        %get3A_350 = arith.constant 0 : index
        %get3A_351 = tpu.vector_load %arg9[%get3A, %get3A_350] {strides = array<i32>} : memref<200x64xf32, #tpu.memory_space<vmem>>, vector<1x16xf32>,
        %get3A_352 = vector.shape_cast %get3A_351 : vector<1x16xf32> to vector<16xf32>
        %get3A_353 = arith.index_cast %add3A_349 : i32 to index
        %get3A_354 = arith.constant 0 : index
        %get3A_355 = tpu.vector_load %arg7[%get3A_353, %get3A_354] {strides = array<i32>} : memref<200x64xf32, #tpu.memory_space<vmem>>, vector<1x16xf32>,
        %get3A_356 = vector.shape_cast %get3A_355 : vector<1x16xf32> to vector<16xf32>
        %add3A_357 = arith.addf %get3A_352, %get3A_356 : vector<16xf32>
        %swap3A = arith.index_cast %add3A_349 : i32 to index
        %swap3A_358 = arith.constant 0 : index
        %swap3A_359 = tpu.vector_load %arg11[%swap3A, %swap3A_358] {strides = array<i32>} : memref<200x64xf32, #tpu.memory_space<vmem>>, vector<1x16xf32>,
        %swap3A_360 = vector.shape_cast %swap3A_359 : vector<1x16xf32> to vector<16xf32>
        %swap3A_361 = vector.shape_cast %add3A_357 : vector<16xf32> to vector<1x16xf32>
        tpu.vector_store %arg11[%swap3A, %swap3A_358], %swap3A_361 {strides = array<i32>} : memref<200x64xf32, #tpu.memory_space<vmem>>, vector<1x16xf32>,
        %get3A_362 = arith.index_cast %add3A_349 : i32 to index
        %get3A_363 = arith.constant 16 : index
        %get3A_364 = tpu.vector_load %arg9[%get3A_362, %get3A_363] {strides = array<i32>} : memref<200x64xf32, #tpu.memory_space<vmem>>, vector<1x16xf32>,
        %get3A_365 = vector.shape_cast %get3A_364 : vector<1x16xf32> to vector<16xf32>
        %get3A_366 = arith.index_cast %add3A_349 : i32 to index
        %get3A_367 = arith.constant 16 : index
        %get3A_368 = tpu.vector_load %arg7[%get3A_366, %get3A_367] {strides = array<i32>} : memref<200x64xf32, #tpu.memory_space<vmem>>, vector<1x16xf32>,
        %get3A_369 = vector.shape_cast %get3A_368 : vector<1x16xf32> to vector<16xf32>
        %add3A_370 = arith.addf %get3A_365, %get3A_369 : vector<16xf32>
        %swap3A_371 = arith.index_cast %add3A_349 : i32 to index
        %swap3A_372 = arith.constant 16 : index
        %swap3A_373 = tpu.vector_load %arg11[%swap3A_371, %swap3A_372] {strides = array<i32>} : memref<200x64xf32, #tpu.memory_space<vmem>>, vector<1x16xf32>,
        %swap3A_374 = vector.shape_cast %swap3A_373 : vector<1x16xf32> to vector<16xf32>
        %swap3A_375 = vector.shape_cast %add3A_370 : vector<16xf32> to vector<1x16xf32>
        tpu.vector_store %arg11[%swap3A_371, %swap3A_372], %swap3A_375 {strides = array<i32>} : memref<200x64xf32, #tpu.memory_space<vmem>>, vector<1x16xf32>,
        %get3A_376 = arith.index_cast %add3A_349 : i32 to index
        %get3A_377 = arith.constant 32 : index
        %get3A_378 = tpu.vector_load %arg9[%get3A_376, %get3A_377] {strides = array<i32>} : memref<200x64xf32, #tpu.memory_space<vmem>>, vector<1x16xf32>,
        %get3A_379 = vector.shape_cast %get3A_378 : vector<1x16xf32> to vector<16xf32>
        %get3A_380 = arith.index_cast %add3A_349 : i32 to index
        %get3A_381 = arith.constant 32 : index
        %get3A_382 = tpu.vector_load %arg7[%get3A_380, %get3A_381] {strides = array<i32>} : memref<200x64xf32, #tpu.memory_space<vmem>>, vector<1x16xf32>,
        %get3A_383 = vector.shape_cast %get3A_382 : vector<1x16xf32> to vector<16xf32>
        %add3A_384 = arith.addf %get3A_379, %get3A_383 : vector<16xf32>
        %swap3A_385 = arith.index_cast %add3A_349 : i32 to index
        %swap3A_386 = arith.constant 32 : index
        %swap3A_387 = tpu.vector_load %arg11[%swap3A_385, %swap3A_386] {strides = array<i32>} : memref<200x64xf32, #tpu.memory_space<vmem>>, vector<1x16xf32>,
        %swap3A_388 = vector.shape_cast %swap3A_387 : vector<1x16xf32> to vector<16xf32>
        %swap3A_389 = vector.shape_cast %add3A_384 : vector<16xf32> to vector<1x16xf32>
        tpu.vector_store %arg11[%swap3A_385, %swap3A_386], %swap3A_389 {strides = array<i32>} : memref<200x64xf32, #tpu.memory_space<vmem>>, vector<1x16xf32>,
        %get3A_390 = arith.index_cast %add3A_349 : i32 to index
        %get3A_391 = arith.constant 48 : index
        %get3A_392 = tpu.vector_load %arg9[%get3A_390, %get3A_391] {strides = array<i32>} : memref<200x64xf32, #tpu.memory_space<vmem>>, vector<1x16xf32>,
        %get3A_393 = vector.shape_cast %get3A_392 : vector<1x16xf32> to vector<16xf32>
        %get3A_394 = arith.index_cast %add3A_349 : i32 to index
        %get3A_395 = arith.constant 48 : index
        %get3A_396 = tpu.vector_load %arg7[%get3A_394, %get3A_395] {strides = array<i32>} : memref<200x64xf32, #tpu.memory_space<vmem>>, vector<1x16xf32>,
        %get3A_397 = vector.shape_cast %get3A_396 : vector<1x16xf32> to vector<16xf32>
        %add3A_398 = arith.addf %get3A_393, %get3A_397 : vector<16xf32>
        %swap3A_399 = arith.index_cast %add3A_349 : i32 to index
        %swap3A_400 = arith.constant 48 : index
        %swap3A_401 = tpu.vector_load %arg11[%swap3A_399, %swap3A_400] {strides = array<i32>} : memref<200x64xf32, #tpu.memory_space<vmem>>, vector<1x16xf32>,
        %swap3A_402 = vector.shape_cast %swap3A_401 : vector<1x16xf32> to vector<16xf32>
        %swap3A_403 = vector.shape_cast %add3A_398 : vector<16xf32> to vector<1x16xf32>
        tpu.vector_store %arg11[%swap3A_399, %swap3A_400], %swap3A_403 {strides = array<i32>} : memref<200x64xf32, #tpu.memory_space<vmem>>, vector<1x16xf32>,
        %add3A_404 = arith.constant 1 : i32
        %add3A_405 = arith.addi %add3A_347, %add3A_404 : i32
        %get3A_406 = arith.index_cast %add3A_405 : i32 to index
        %get3A_407 = arith.constant 0 : index
        %get3A_408 = tpu.vector_load %arg9[%get3A_406, %get3A_407] {strides = array<i32>} : memref<200x64xf32, #tpu.memory_space<vmem>>, vector<1x16xf32>,
        %get3A_409 = vector.shape_cast %get3A_408 : vector<1x16xf32> to vector<16xf32>
        %get3A_410 = arith.index_cast %add3A_405 : i32 to index
        %get3A_411 = arith.constant 0 : index
        %get3A_412 = tpu.vector_load %arg7[%get3A_410, %get3A_411] {strides = array<i32>} : memref<200x64xf32, #tpu.memory_space<vmem>>, vector<1x16xf32>,
        %get3A_413 = vector.shape_cast %get3A_412 : vector<1x16xf32> to vector<16xf32>
        %add3A_414 = arith.addf %get3A_409, %get3A_413 : vector<16xf32>
        %swap3A_415 = arith.index_cast %add3A_405 : i32 to index
        %swap3A_416 = arith.constant 0 : index
        %swap3A_417 = tpu.vector_load %arg11[%swap3A_415, %swap3A_416] {strides = array<i32>} : memref<200x64xf32, #tpu.memory_space<vmem>>, vector<1x16xf32>,
        %swap3A_418 = vector.shape_cast %swap3A_417 : vector<1x16xf32> to vector<16xf32>
        %swap3A_419 = vector.shape_cast %add3A_414 : vector<16xf32> to vector<1x16xf32>
        tpu.vector_store %arg11[%swap3A_415, %swap3A_416], %swap3A_419 {strides = array<i32>} : memref<200x64xf32, #tpu.memory_space<vmem>>, vector<1x16xf32>,
        %get3A_420 = arith.index_cast %add3A_405 : i32 to index
        %get3A_421 = arith.constant 16 : index
        %get3A_422 = tpu.vector_load %arg9[%get3A_420, %get3A_421] {strides = array<i32>} : memref<200x64xf32, #tpu.memory_space<vmem>>, vector<1x16xf32>,
        %get3A_423 = vector.shape_cast %get3A_422 : vector<1x16xf32> to vector<16xf32>
        %get3A_424 = arith.index_cast %add3A_405 : i32 to index
        %get3A_425 = arith.constant 16 : index
        %get3A_426 = tpu.vector_load %arg7[%get3A_424, %get3A_425] {strides = array<i32>} : memref<200x64xf32, #tpu.memory_space<vmem>>, vector<1x16xf32>,
        %get3A_427 = vector.shape_cast %get3A_426 : vector<1x16xf32> to vector<16xf32>
        %add3A_428 = arith.addf %get3A_423, %get3A_427 : vector<16xf32>
        %swap3A_429 = arith.index_cast %add3A_405 : i32 to index
        %swap3A_430 = arith.constant 16 : index
        %swap3A_431 = tpu.vector_load %arg11[%swap3A_429, %swap3A_430] {strides = array<i32>} : memref<200x64xf32, #tpu.memory_space<vmem>>, vector<1x16xf32>,
        %swap3A_432 = vector.shape_cast %swap3A_431 : vector<1x16xf32> to vector<16xf32>
        %swap3A_433 = vector.shape_cast %add3A_428 : vector<16xf32> to vector<1x16xf32>
        tpu.vector_store %arg11[%swap3A_429, %swap3A_430], %swap3A_433 {strides = array<i32>} : memref<200x64xf32, #tpu.memory_space<vmem>>, vector<1x16xf32>,
        %get3A_434 = arith.index_cast %add3A_405 : i32 to index
        %get3A_435 = arith.constant 32 : index
        %get3A_436 = tpu.vector_load %arg9[%get3A_434, %get3A_435] {strides = array<i32>} : memref<200x64xf32, #tpu.memory_space<vmem>>, vector<1x16xf32>,
        %get3A_437 = vector.shape_cast %get3A_436 : vector<1x16xf32> to vector<16xf32>
        %get3A_438 = arith.index_cast %add3A_405 : i32 to index
        %get3A_439 = arith.constant 32 : index
        %get3A_440 = tpu.vector_load %arg7[%get3A_438, %get3A_439] {strides = array<i32>} : memref<200x64xf32, #tpu.memory_space<vmem>>, vector<1x16xf32>,
        %get3A_441 = vector.shape_cast %get3A_440 : vector<1x16xf32> to vector<16xf32>
        %add3A_442 = arith.addf %get3A_437, %get3A_441 : vector<16xf32>
        %swap3A_443 = arith.index_cast %add3A_405 : i32 to index
        %swap3A_444 = arith.constant 32 : index
        %swap3A_445 = tpu.vector_load %arg11[%swap3A_443, %swap3A_444] {strides = array<i32>} : memref<200x64xf32, #tpu.memory_space<vmem>>, vector<1x16xf32>,
        %swap3A_446 = vector.shape_cast %swap3A_445 : vector<1x16xf32> to vector<16xf32>
        %swap3A_447 = vector.shape_cast %add3A_442 : vector<16xf32> to vector<1x16xf32>
        tpu.vector_store %arg11[%swap3A_443, %swap3A_444], %swap3A_447 {strides = array<i32>} : memref<200x64xf32, #tpu.memory_space<vmem>>, vector<1x16xf32>,
        %get3A_448 = arith.index_cast %add3A_405 : i32 to index
        %get3A_449 = arith.constant 48 : index
        %get3A_450 = tpu.vector_load %arg9[%get3A_448, %get3A_449] {strides = array<i32>} : memref<200x64xf32, #tpu.memory_space<vmem>>, vector<1x16xf32>,
        %get3A_451 = vector.shape_cast %get3A_450 : vector<1x16xf32> to vector<16xf32>
        %get3A_452 = arith.index_cast %add3A_405 : i32 to index
        %get3A_453 = arith.constant 48 : index
        %get3A_454 = tpu.vector_load %arg7[%get3A_452, %get3A_453] {strides = array<i32>} : memref<200x64xf32, #tpu.memory_space<vmem>>, vector<1x16xf32>,
        %get3A_455 = vector.shape_cast %get3A_454 : vector<1x16xf32> to vector<16xf32>
        %add3A_456 = arith.addf %get3A_451, %get3A_455 : vector<16xf32>
        %swap3A_457 = arith.index_cast %add3A_405 : i32 to index
        %swap3A_458 = arith.constant 48 : index
        %swap3A_459 = tpu.vector_load %arg11[%swap3A_457, %swap3A_458] {strides = array<i32>} : memref<200x64xf32, #tpu.memory_space<vmem>>, vector<1x16xf32>,
        %swap3A_460 = vector.shape_cast %swap3A_459 : vector<1x16xf32> to vector<16xf32>
        %swap3A_461 = vector.shape_cast %add3A_456 : vector<16xf32> to vector<1x16xf32>
        tpu.vector_store %arg11[%swap3A_457, %swap3A_458], %swap3A_461 {strides = array<i32>} : memref<200x64xf32, #tpu.memory_space<vmem>>, vector<1x16xf32>,
      }
      %scan3A_298 = arith.constant 100 : i32
      %sub3A_299 = arith.constant 2 : i32
      %sub3A_300 = arith.subi %add3A_287, %sub3A_299 : i32
      %mul3A_301 = arith.constant 32 : i32
      %mul3A_302 = arith.muli %add3A, %mul3A_301 : i32
      %add3A_303 = arith.addi %mul3A_302, %sub3A_300 : i32
      %dma_wait3A_304 = arith.constant 0 : i32
      %dma_wait3A_305 = arith.constant 0 : i32
      %dma_wait3A_306 = tpu.memref_slice %arg5[%add3A_303, %dma_wait3A_304, %dma_wait3A_305] : memref<1024x200x64xf32, #tpu.memory_space<hbm>> -> memref<1x200x64xf32, #tpu.memory_space<hbm>>
      %dma_wait3A_307 = tpu.memref_squeeze %dma_wait3A_306 : memref<1x200x64xf32, #tpu.memory_space<hbm>> -> memref<200x64xf32, #tpu.memory_space<hbm>>
      %dma_wait3A_308 = arith.constant 0 : i32
      %dma_wait3A_309 = arith.constant 0 : i32
      %dma_wait3A_310 = tpu.memref_slice %arg5[%add3A_303, %dma_wait3A_308, %dma_wait3A_309] : memref<1024x200x64xf32, #tpu.memory_space<hbm>> -> memref<1x200x64xf32, #tpu.memory_space<hbm>>
      %dma_wait3A_311 = tpu.memref_squeeze %dma_wait3A_310 : memref<1x200x64xf32, #tpu.memory_space<hbm>> -> memref<200x64xf32, #tpu.memory_space<hbm>>
      tpu.wait_dma2 semaphore(%arg15 : memref<!tpu.dma_semaphore, #tpu.memory_space<semaphore_mem>>) src(%arg11 : memref<200x64xf32, #tpu.memory_space<vmem>>) dst(%dma_wait3A_311 : memref<200x64xf32, #tpu.memory_space<hbm>>)
      %mul3A_312 = arith.constant 32 : i32
      %mul3A_313 = arith.muli %add3A, %mul3A_312 : i32
      %add3A_314 = arith.addi %mul3A_313, %add3A_287 : i32
      %dma_start3A_315 = arith.constant 0 : i32
      %dma_start3A_316 = arith.constant 0 : i32
      %dma_start3A_317 = tpu.memref_slice %arg5[%add3A_314, %dma_start3A_315, %dma_start3A_316] : memref<1024x200x64xf32, #tpu.memory_space<hbm>> -> memref<1x200x64xf32, #tpu.memory_space<hbm>>
      %dma_start3A_318 = tpu.memref_squeeze %dma_start3A_317 : memref<1x200x64xf32, #tpu.memory_space<hbm>> -> memref<200x64xf32, #tpu.memory_space<hbm>>
      %dma_start3A_319 = arith.constant 0 : i32
      %dma_start3A_320 = arith.constant 0 : i32
      %dma_start3A_321 = tpu.memref_slice %arg5[%add3A_314, %dma_start3A_319, %dma_start3A_320] : memref<1024x200x64xf32, #tpu.memory_space<hbm>> -> memref<1x200x64xf32, #tpu.memory_space<hbm>>
      %dma_start3A_322 = tpu.memref_squeeze %dma_start3A_321 : memref<1x200x64xf32, #tpu.memory_space<hbm>> -> memref<200x64xf32, #tpu.memory_space<hbm>>
      tpu.enqueue_dma source(%arg11 : memref<200x64xf32, #tpu.memory_space<vmem>>) target(%dma_start3A_322 : memref<200x64xf32, #tpu.memory_space<hbm>>) target_semaphore(%arg15 : memref<!tpu.dma_semaphore, #tpu.memory_space<semaphore_mem>>)
      %add3A_323 = arith.constant 2 : i32
      %add3A_324 = arith.addi %add3A_287, %add3A_323 : i32
      %dma_start3A_325 = arith.constant 0 : i32
      %dma_start3A_326 = arith.constant 0 : i32
      %dma_start3A_327 = tpu.memref_slice %arg9[%dma_start3A_325, %dma_start3A_326] : memref<200x64xf32, #tpu.memory_space<vmem>> -> memref<128x64xf32, #tpu.memory_space<vmem>>
      %dma_start3A_328 = arith.constant 0 : i32
      %dma_start3A_329 = tpu.memref_slice %arg6[%add3A_324, %dma_start3A_328] : memref<32x200xi32, #tpu.memory_space<vmem>> -> memref<1x128xi32, #tpu.memory_space<vmem>>
      %dma_start3A_330 = tpu.memref_squeeze %dma_start3A_329 : memref<1x128xi32, #tpu.memory_space<vmem>> -> memref<128xi32, #tpu.memory_space<vmem>>
      %dma_start3A_331 = arith.constant 0 : i32
      %dma_start3A_332 = arith.constant 0 : i32
      %dma_start3A_333 = tpu.memref_slice %arg2[%dma_start3A_331, %dma_start3A_332] : memref<1000000x64xf32, #tpu.memory_space<hbm>> -> memref<1000000x64xf32, #tpu.memory_space<hbm>>
      tpu.enqueue_indirect_dma source(%dma_start3A_333 : memref<1000000x64xf32, #tpu.memory_space<hbm>>) target(%dma_start3A_327 : memref<128x64xf32, #tpu.memory_space<vmem>>) offsets(%dma_start3A_330 : memref<128xi32, #tpu.memory_space<vmem>>) semaphore(%arg13 : memref<!tpu.dma_semaphore, #tpu.memory_space<semaphore_mem>>)
      %dma_start3A_334 = arith.constant 128 : i32
      %dma_start3A_335 = arith.constant 0 : i32
      %dma_start3A_336 = tpu.memref_slice %arg9[%dma_start3A_334, %dma_start3A_335] : memref<200x64xf32, #tpu.memory_space<vmem>> -> memref<72x64xf32, #tpu.memory_space<vmem>>
      %dma_start3A_337 = arith.constant 128 : i32
      %dma_start3A_338 = tpu.memref_slice %arg6[%add3A_324, %dma_start3A_337] : memref<32x200xi32, #tpu.memory_space<vmem>> -> memref<1x72xi32, #tpu.memory_space<vmem>>
      %dma_start3A_339 = tpu.memref_squeeze %dma_start3A_338 : memref<1x72xi32, #tpu.memory_space<vmem>> -> memref<72xi32, #tpu.memory_space<vmem>>
      %dma_start3A_340 = arith.constant 0 : i32
      %dma_start3A_341 = arith.constant 0 : i32
      %dma_start3A_342 = tpu.memref_slice %arg2[%dma_start3A_340, %dma_start3A_341] : memref<1000000x64xf32, #tpu.memory_space<hbm>> -> memref<1000000x64xf32, #tpu.memory_space<hbm>>
      tpu.enqueue_indirect_dma source(%dma_start3A_342 : memref<1000000x64xf32, #tpu.memory_space<hbm>>) target(%dma_start3A_336 : memref<72x64xf32, #tpu.memory_space<vmem>>) offsets(%dma_start3A_339 : memref<72xi32, #tpu.memory_space<vmem>>) semaphore(%arg13 : memref<!tpu.dma_semaphore, #tpu.memory_space<semaphore_mem>>)
    }
    %scan3A_130 = arith.constant 14 : i32
    %dma_wait3A_131 = arith.constant 0 : i32
    %dma_wait3A_132 = arith.constant 0 : i32
    %dma_wait3A_133 = tpu.memref_slice %arg2[%dma_wait3A_131, %dma_wait3A_132] : memref<1000000x64xf32, #tpu.memory_space<hbm>> -> memref<200x64xf32, #tpu.memory_space<hbm>>
    %dma_wait3A_134 = arith.constant 0 : i32
    %dma_wait3A_135 = arith.constant 0 : i32
    %dma_wait3A_136 = tpu.memref_slice %arg2[%dma_wait3A_134, %dma_wait3A_135] : memref<1000000x64xf32, #tpu.memory_space<hbm>> -> memref<200x64xf32, #tpu.memory_space<hbm>>
    tpu.wait_dma2 semaphore(%arg12 : memref<!tpu.dma_semaphore, #tpu.memory_space<semaphore_mem>>) src(%dma_wait3A_136 : memref<200x64xf32, #tpu.memory_space<hbm>>) dst(%arg8 : memref<200x64xf32, #tpu.memory_space<vmem>>)
    %scan3A_137 = arith.constant 0 : i32
    %scan3A_138 = arith.constant 100 : i32
    %scan3A_139 = arith.addi %scan3A_137, %scan3A_138 : i32
    %scan3A_140 = arith.constant 1 : i32
    scf.for %scan3A_225 = %scan3A_137 to %scan3A_139 step %scan3A_140  : i32 {
      %mul3A_226 = arith.constant 2 : i32
      %mul3A_227 = arith.muli %scan3A_225, %mul3A_226 : i32
      %add3A_228 = arith.constant 0 : i32
      %add3A_229 = arith.addi %add3A_228, %mul3A_227 : i32
      %add3A_230 = arith.constant 0 : i32
      %add3A_231 = arith.addi %add3A_229, %add3A_230 : i32
      %get3A = arith.index_cast %add3A_231 : i32 to index
      %get3A_232 = arith.constant 0 : index
      %get3A_233 = tpu.vector_load %arg8[%get3A, %get3A_232] {strides = array<i32>} : memref<200x64xf32, #tpu.memory_space<vmem>>, vector<1x16xf32>,
      %get3A_234 = vector.shape_cast %get3A_233 : vector<1x16xf32> to vector<16xf32>
      %get3A_235 = arith.index_cast %add3A_231 : i32 to index
      %get3A_236 = arith.constant 0 : index
      %get3A_237 = tpu.vector_load %arg7[%get3A_235, %get3A_236] {strides = array<i32>} : memref<200x64xf32, #tpu.memory_space<vmem>>, vector<1x16xf32>,
      %get3A_238 = vector.shape_cast %get3A_237 : vector<1x16xf32> to vector<16xf32>
      %add3A_239 = arith.addf %get3A_234, %get3A_238 : vector<16xf32>
      %swap3A = arith.index_cast %add3A_231 : i32 to index
      %swap3A_240 = arith.constant 0 : index
      %swap3A_241 = tpu.vector_load %arg10[%swap3A, %swap3A_240] {strides = array<i32>} : memref<200x64xf32, #tpu.memory_space<vmem>>, vector<1x16xf32>,
      %swap3A_242 = vector.shape_cast %swap3A_241 : vector<1x16xf32> to vector<16xf32>
      %swap3A_243 = vector.shape_cast %add3A_239 : vector<16xf32> to vector<1x16xf32>
      tpu.vector_store %arg10[%swap3A, %swap3A_240], %swap3A_243 {strides = array<i32>} : memref<200x64xf32, #tpu.memory_space<vmem>>, vector<1x16xf32>,
      %get3A_244 = arith.index_cast %add3A_231 : i32 to index
      %get3A_245 = arith.constant 16 : index
      %get3A_246 = tpu.vector_load %arg8[%get3A_244, %get3A_245] {strides = array<i32>} : memref<200x64xf32, #tpu.memory_space<vmem>>, vector<1x16xf32>,
      %get3A_247 = vector.shape_cast %get3A_246 : vector<1x16xf32> to vector<16xf32>
      %get3A_248 = arith.index_cast %add3A_231 : i32 to index
      %get3A_249 = arith.constant 16 : index
      %get3A_250 = tpu.vector_load %arg7[%get3A_248, %get3A_249] {strides = array<i32>} : memref<200x64xf32, #tpu.memory_space<vmem>>, vector<1x16xf32>,
      %get3A_251 = vector.shape_cast %get3A_250 : vector<1x16xf32> to vector<16xf32>
      %add3A_252 = arith.addf %get3A_247, %get3A_251 : vector<16xf32>
      %swap3A_253 = arith.index_cast %add3A_231 : i32 to index
      %swap3A_254 = arith.constant 16 : index
      %swap3A_255 = tpu.vector_load %arg10[%swap3A_253, %swap3A_254] {strides = array<i32>} : memref<200x64xf32, #tpu.memory_space<vmem>>, vector<1x16xf32>,
      %swap3A_256 = vector.shape_cast %swap3A_255 : vector<1x16xf32> to vector<16xf32>
      %swap3A_257 = vector.shape_cast %add3A_252 : vector<16xf32> to vector<1x16xf32>
      tpu.vector_store %arg10[%swap3A_253, %swap3A_254], %swap3A_257 {strides = array<i32>} : memref<200x64xf32, #tpu.memory_space<vmem>>, vector<1x16xf32>,
      %get3A_258 = arith.index_cast %add3A_231 : i32 to index
      %get3A_259 = arith.constant 32 : index
      %get3A_260 = tpu.vector_load %arg8[%get3A_258, %get3A_259] {strides = array<i32>} : memref<200x64xf32, #tpu.memory_space<vmem>>, vector<1x16xf32>,
      %get3A_261 = vector.shape_cast %get3A_260 : vector<1x16xf32> to vector<16xf32>
      %get3A_262 = arith.index_cast %add3A_231 : i32 to index
      %get3A_263 = arith.constant 32 : index
      %get3A_264 = tpu.vector_load %arg7[%get3A_262, %get3A_263] {strides = array<i32>} : memref<200x64xf32, #tpu.memory_space<vmem>>, vector<1x16xf32>,
      %get3A_265 = vector.shape_cast %get3A_264 : vector<1x16xf32> to vector<16xf32>
      %add3A_266 = arith.addf %get3A_261, %get3A_265 : vector<16xf32>
      %swap3A_267 = arith.index_cast %add3A_231 : i32 to index
      %swap3A_268 = arith.constant 32 : index
      %swap3A_269 = tpu.vector_load %arg10[%swap3A_267, %swap3A_268] {strides = array<i32>} : memref<200x64xf32, #tpu.memory_space<vmem>>, vector<1x16xf32>,
      %swap3A_270 = vector.shape_cast %swap3A_269 : vector<1x16xf32> to vector<16xf32>
      %swap3A_271 = vector.shape_cast %add3A_266 : vector<16xf32> to vector<1x16xf32>
      tpu.vector_store %arg10[%swap3A_267, %swap3A_268], %swap3A_271 {strides = array<i32>} : memref<200x64xf32, #tpu.memory_space<vmem>>, vector<1x16xf32>,
      %get3A_272 = arith.index_cast %add3A_231 : i32 to index
      %get3A_273 = arith.constant 48 : index
      %get3A_274 = tpu.vector_load %arg8[%get3A_272, %get3A_273] {strides = array<i32>} : memref<200x64xf32, #tpu.memory_space<vmem>>, vector<1x16xf32>,
      %get3A_275 = vector.shape_cast %get3A_274 : vector<1x16xf32> to vector<16xf32>
      %get3A_276 = arith.index_cast %add3A_231 : i32 to index
      %get3A_277 = arith.constant 48 : index
      %get3A_278 = tpu.vector_load %arg7[%get3A_276, %get3A_277] {strides = array<i32>} : memref<200x64xf32, #tpu.memory_space<vmem>>, vector<1x16xf32>,
      %get3A_279 = vector.shape_cast %get3A_278 : vector<1x16xf32> to vector<16xf32>
      %add3A_280 = arith.addf %get3A_275, %get3A_279 : vector<16xf32>
      %swap3A_281 = arith.index_cast %add3A_231 : i32 to index
      %swap3A_282 = arith.constant 48 : index
      %swap3A_283 = tpu.vector_load %arg10[%swap3A_281, %swap3A_282] {strides = array<i32>} : memref<200x64xf32, #tpu.memory_space<vmem>>, vector<1x16xf32>,
      %swap3A_284 = vector.shape_cast %swap3A_283 : vector<1x16xf32> to vector<16xf32>
      %swap3A_285 = vector.shape_cast %add3A_280 : vector<16xf32> to vector<1x16xf32>
      tpu.vector_store %arg10[%swap3A_281, %swap3A_282], %swap3A_285 {strides = array<i32>} : memref<200x64xf32, #tpu.memory_space<vmem>>, vector<1x16xf32>,
      %add3A_286 = arith.constant 1 : i32
      %add3A_287 = arith.addi %add3A_229, %add3A_286 : i32
      %get3A_288 = arith.index_cast %add3A_287 : i32 to index
      %get3A_289 = arith.constant 0 : index
      %get3A_290 = tpu.vector_load %arg8[%get3A_288, %get3A_289] {strides = array<i32>} : memref<200x64xf32, #tpu.memory_space<vmem>>, vector<1x16xf32>,
      %get3A_291 = vector.shape_cast %get3A_290 : vector<1x16xf32> to vector<16xf32>
      %get3A_292 = arith.index_cast %add3A_287 : i32 to index
      %get3A_293 = arith.constant 0 : index
      %get3A_294 = tpu.vector_load %arg7[%get3A_292, %get3A_293] {strides = array<i32>} : memref<200x64xf32, #tpu.memory_space<vmem>>, vector<1x16xf32>,
      %get3A_295 = vector.shape_cast %get3A_294 : vector<1x16xf32> to vector<16xf32>
      %add3A_296 = arith.addf %get3A_291, %get3A_295 : vector<16xf32>
      %swap3A_297 = arith.index_cast %add3A_287 : i32 to index
      %swap3A_298 = arith.constant 0 : index
      %swap3A_299 = tpu.vector_load %arg10[%swap3A_297, %swap3A_298] {strides = array<i32>} : memref<200x64xf32, #tpu.memory_space<vmem>>, vector<1x16xf32>,
      %swap3A_300 = vector.shape_cast %swap3A_299 : vector<1x16xf32> to vector<16xf32>
      %swap3A_301 = vector.shape_cast %add3A_296 : vector<16xf32> to vector<1x16xf32>
      tpu.vector_store %arg10[%swap3A_297, %swap3A_298], %swap3A_301 {strides = array<i32>} : memref<200x64xf32, #tpu.memory_space<vmem>>, vector<1x16xf32>,
      %get3A_302 = arith.index_cast %add3A_287 : i32 to index
      %get3A_303 = arith.constant 16 : index
      %get3A_304 = tpu.vector_load %arg8[%get3A_302, %get3A_303] {strides = array<i32>} : memref<200x64xf32, #tpu.memory_space<vmem>>, vector<1x16xf32>,
      %get3A_305 = vector.shape_cast %get3A_304 : vector<1x16xf32> to vector<16xf32>
      %get3A_306 = arith.index_cast %add3A_287 : i32 to index
      %get3A_307 = arith.constant 16 : index
      %get3A_308 = tpu.vector_load %arg7[%get3A_306, %get3A_307] {strides = array<i32>} : memref<200x64xf32, #tpu.memory_space<vmem>>, vector<1x16xf32>,
      %get3A_309 = vector.shape_cast %get3A_308 : vector<1x16xf32> to vector<16xf32>
      %add3A_310 = arith.addf %get3A_305, %get3A_309 : vector<16xf32>
      %swap3A_311 = arith.index_cast %add3A_287 : i32 to index
      %swap3A_312 = arith.constant 16 : index
      %swap3A_313 = tpu.vector_load %arg10[%swap3A_311, %swap3A_312] {strides = array<i32>} : memref<200x64xf32, #tpu.memory_space<vmem>>, vector<1x16xf32>,
      %swap3A_314 = vector.shape_cast %swap3A_313 : vector<1x16xf32> to vector<16xf32>
      %swap3A_315 = vector.shape_cast %add3A_310 : vector<16xf32> to vector<1x16xf32>
      tpu.vector_store %arg10[%swap3A_311, %swap3A_312], %swap3A_315 {strides = array<i32>} : memref<200x64xf32, #tpu.memory_space<vmem>>, vector<1x16xf32>,
      %get3A_316 = arith.index_cast %add3A_287 : i32 to index
      %get3A_317 = arith.constant 32 : index
      %get3A_318 = tpu.vector_load %arg8[%get3A_316, %get3A_317] {strides = array<i32>} : memref<200x64xf32, #tpu.memory_space<vmem>>, vector<1x16xf32>,
      %get3A_319 = vector.shape_cast %get3A_318 : vector<1x16xf32> to vector<16xf32>
      %get3A_320 = arith.index_cast %add3A_287 : i32 to index
      %get3A_321 = arith.constant 32 : index
      %get3A_322 = tpu.vector_load %arg7[%get3A_320, %get3A_321] {strides = array<i32>} : memref<200x64xf32, #tpu.memory_space<vmem>>, vector<1x16xf32>,
      %get3A_323 = vector.shape_cast %get3A_322 : vector<1x16xf32> to vector<16xf32>
      %add3A_324 = arith.addf %get3A_319, %get3A_323 : vector<16xf32>
      %swap3A_325 = arith.index_cast %add3A_287 : i32 to index
      %swap3A_326 = arith.constant 32 : index
      %swap3A_327 = tpu.vector_load %arg10[%swap3A_325, %swap3A_326] {strides = array<i32>} : memref<200x64xf32, #tpu.memory_space<vmem>>, vector<1x16xf32>,
      %swap3A_328 = vector.shape_cast %swap3A_327 : vector<1x16xf32> to vector<16xf32>
      %swap3A_329 = vector.shape_cast %add3A_324 : vector<16xf32> to vector<1x16xf32>
      tpu.vector_store %arg10[%swap3A_325, %swap3A_326], %swap3A_329 {strides = array<i32>} : memref<200x64xf32, #tpu.memory_space<vmem>>, vector<1x16xf32>,
      %get3A_330 = arith.index_cast %add3A_287 : i32 to index
      %get3A_331 = arith.constant 48 : index
      %get3A_332 = tpu.vector_load %arg8[%get3A_330, %get3A_331] {strides = array<i32>} : memref<200x64xf32, #tpu.memory_space<vmem>>, vector<1x16xf32>,
      %get3A_333 = vector.shape_cast %get3A_332 : vector<1x16xf32> to vector<16xf32>
      %get3A_334 = arith.index_cast %add3A_287 : i32 to index
      %get3A_335 = arith.constant 48 : index
      %get3A_336 = tpu.vector_load %arg7[%get3A_334, %get3A_335] {strides = array<i32>} : memref<200x64xf32, #tpu.memory_space<vmem>>, vector<1x16xf32>,
      %get3A_337 = vector.shape_cast %get3A_336 : vector<1x16xf32> to vector<16xf32>
      %add3A_338 = arith.addf %get3A_333, %get3A_337 : vector<16xf32>
      %swap3A_339 = arith.index_cast %add3A_287 : i32 to index
      %swap3A_340 = arith.constant 48 : index
      %swap3A_341 = tpu.vector_load %arg10[%swap3A_339, %swap3A_340] {strides = array<i32>} : memref<200x64xf32, #tpu.memory_space<vmem>>, vector<1x16xf32>,
      %swap3A_342 = vector.shape_cast %swap3A_341 : vector<1x16xf32> to vector<16xf32>
      %swap3A_343 = vector.shape_cast %add3A_338 : vector<16xf32> to vector<1x16xf32>
      tpu.vector_store %arg10[%swap3A_339, %swap3A_340], %swap3A_343 {strides = array<i32>} : memref<200x64xf32, #tpu.memory_space<vmem>>, vector<1x16xf32>,
    }
    %scan3A_141 = arith.constant 100 : i32
    %mul3A_142 = arith.constant 32 : i32
    %mul3A_143 = arith.muli %add3A, %mul3A_142 : i32
    %add3A_144 = arith.constant 28 : i32
    %add3A_145 = arith.addi %mul3A_143, %add3A_144 : i32
    %dma_wait3A_146 = arith.constant 0 : i32
    %dma_wait3A_147 = arith.constant 0 : i32
    %dma_wait3A_148 = tpu.memref_slice %arg5[%add3A_145, %dma_wait3A_146, %dma_wait3A_147] : memref<1024x200x64xf32, #tpu.memory_space<hbm>> -> memref<1x200x64xf32, #tpu.memory_space<hbm>>
    %dma_wait3A_149 = tpu.memref_squeeze %dma_wait3A_148 : memref<1x200x64xf32, #tpu.memory_space<hbm>> -> memref<200x64xf32, #tpu.memory_space<hbm>>
    %dma_wait3A_150 = arith.constant 0 : i32
    %dma_wait3A_151 = arith.constant 0 : i32
    %dma_wait3A_152 = tpu.memref_slice %arg5[%add3A_145, %dma_wait3A_150, %dma_wait3A_151] : memref<1024x200x64xf32, #tpu.memory_space<hbm>> -> memref<1x200x64xf32, #tpu.memory_space<hbm>>
    %dma_wait3A_153 = tpu.memref_squeeze %dma_wait3A_152 : memref<1x200x64xf32, #tpu.memory_space<hbm>> -> memref<200x64xf32, #tpu.memory_space<hbm>>
    tpu.wait_dma2 semaphore(%arg14 : memref<!tpu.dma_semaphore, #tpu.memory_space<semaphore_mem>>) src(%arg10 : memref<200x64xf32, #tpu.memory_space<vmem>>) dst(%dma_wait3A_153 : memref<200x64xf32, #tpu.memory_space<hbm>>)
    %mul3A_154 = arith.constant 32 : i32
    %mul3A_155 = arith.muli %add3A, %mul3A_154 : i32
    %add3A_156 = arith.constant 30 : i32
    %add3A_157 = arith.addi %mul3A_155, %add3A_156 : i32
    %dma_start3A_158 = arith.constant 0 : i32
    %dma_start3A_159 = arith.constant 0 : i32
    %dma_start3A_160 = tpu.memref_slice %arg5[%add3A_157, %dma_start3A_158, %dma_start3A_159] : memref<1024x200x64xf32, #tpu.memory_space<hbm>> -> memref<1x200x64xf32, #tpu.memory_space<hbm>>
    %dma_start3A_161 = tpu.memref_squeeze %dma_start3A_160 : memref<1x200x64xf32, #tpu.memory_space<hbm>> -> memref<200x64xf32, #tpu.memory_space<hbm>>
    %dma_start3A_162 = arith.constant 0 : i32
    %dma_start3A_163 = arith.constant 0 : i32
    %dma_start3A_164 = tpu.memref_slice %arg5[%add3A_157, %dma_start3A_162, %dma_start3A_163] : memref<1024x200x64xf32, #tpu.memory_space<hbm>> -> memref<1x200x64xf32, #tpu.memory_space<hbm>>
    %dma_start3A_165 = tpu.memref_squeeze %dma_start3A_164 : memref<1x200x64xf32, #tpu.memory_space<hbm>> -> memref<200x64xf32, #tpu.memory_space<hbm>>
    tpu.enqueue_dma source(%arg10 : memref<200x64xf32, #tpu.memory_space<vmem>>) target(%dma_start3A_165 : memref<200x64xf32, #tpu.memory_space<hbm>>) target_semaphore(%arg14 : memref<!tpu.dma_semaphore, #tpu.memory_space<semaphore_mem>>)
    %dma_wait3A_166 = arith.constant 0 : i32
    %dma_wait3A_167 = arith.constant 0 : i32
    %dma_wait3A_168 = tpu.memref_slice %arg2[%dma_wait3A_166, %dma_wait3A_167] : memref<1000000x64xf32, #tpu.memory_space<hbm>> -> memref<200x64xf32, #tpu.memory_space<hbm>>
    %dma_wait3A_169 = arith.constant 0 : i32
    %dma_wait3A_170 = arith.constant 0 : i32
    %dma_wait3A_171 = tpu.memref_slice %arg2[%dma_wait3A_169, %dma_wait3A_170] : memref<1000000x64xf32, #tpu.memory_space<hbm>> -> memref<200x64xf32, #tpu.memory_space<hbm>>
    tpu.wait_dma2 semaphore(%arg13 : memref<!tpu.dma_semaphore, #tpu.memory_space<semaphore_mem>>) src(%dma_wait3A_171 : memref<200x64xf32, #tpu.memory_space<hbm>>) dst(%arg9 : memref<200x64xf32, #tpu.memory_space<vmem>>)
    %scan3A_172 = arith.constant 0 : i32
    %scan3A_173 = arith.constant 100 : i32
    %scan3A_174 = arith.addi %scan3A_172, %scan3A_173 : i32
    %scan3A_175 = arith.constant 1 : i32
    scf.for %scan3A_225 = %scan3A_172 to %scan3A_174 step %scan3A_175  : i32 {
      %mul3A_226 = arith.constant 2 : i32
      %mul3A_227 = arith.muli %scan3A_225, %mul3A_226 : i32
      %add3A_228 = arith.constant 0 : i32
      %add3A_229 = arith.addi %add3A_228, %mul3A_227 : i32
      %add3A_230 = arith.constant 0 : i32
      %add3A_231 = arith.addi %add3A_229, %add3A_230 : i32
      %get3A = arith.index_cast %add3A_231 : i32 to index
      %get3A_232 = arith.constant 0 : index
      %get3A_233 = tpu.vector_load %arg9[%get3A, %get3A_232] {strides = array<i32>} : memref<200x64xf32, #tpu.memory_space<vmem>>, vector<1x16xf32>,
      %get3A_234 = vector.shape_cast %get3A_233 : vector<1x16xf32> to vector<16xf32>
      %get3A_235 = arith.index_cast %add3A_231 : i32 to index
      %get3A_236 = arith.constant 0 : index
      %get3A_237 = tpu.vector_load %arg7[%get3A_235, %get3A_236] {strides = array<i32>} : memref<200x64xf32, #tpu.memory_space<vmem>>, vector<1x16xf32>,
      %get3A_238 = vector.shape_cast %get3A_237 : vector<1x16xf32> to vector<16xf32>
      %add3A_239 = arith.addf %get3A_234, %get3A_238 : vector<16xf32>
      %swap3A = arith.index_cast %add3A_231 : i32 to index
      %swap3A_240 = arith.constant 0 : index
      %swap3A_241 = tpu.vector_load %arg11[%swap3A, %swap3A_240] {strides = array<i32>} : memref<200x64xf32, #tpu.memory_space<vmem>>, vector<1x16xf32>,
      %swap3A_242 = vector.shape_cast %swap3A_241 : vector<1x16xf32> to vector<16xf32>
      %swap3A_243 = vector.shape_cast %add3A_239 : vector<16xf32> to vector<1x16xf32>
      tpu.vector_store %arg11[%swap3A, %swap3A_240], %swap3A_243 {strides = array<i32>} : memref<200x64xf32, #tpu.memory_space<vmem>>, vector<1x16xf32>,
      %get3A_244 = arith.index_cast %add3A_231 : i32 to index
      %get3A_245 = arith.constant 16 : index
      %get3A_246 = tpu.vector_load %arg9[%get3A_244, %get3A_245] {strides = array<i32>} : memref<200x64xf32, #tpu.memory_space<vmem>>, vector<1x16xf32>,
      %get3A_247 = vector.shape_cast %get3A_246 : vector<1x16xf32> to vector<16xf32>
      %get3A_248 = arith.index_cast %add3A_231 : i32 to index
      %get3A_249 = arith.constant 16 : index
      %get3A_250 = tpu.vector_load %arg7[%get3A_248, %get3A_249] {strides = array<i32>} : memref<200x64xf32, #tpu.memory_space<vmem>>, vector<1x16xf32>,
      %get3A_251 = vector.shape_cast %get3A_250 : vector<1x16xf32> to vector<16xf32>
      %add3A_252 = arith.addf %get3A_247, %get3A_251 : vector<16xf32>
      %swap3A_253 = arith.index_cast %add3A_231 : i32 to index
      %swap3A_254 = arith.constant 16 : index
      %swap3A_255 = tpu.vector_load %arg11[%swap3A_253, %swap3A_254] {strides = array<i32>} : memref<200x64xf32, #tpu.memory_space<vmem>>, vector<1x16xf32>,
      %swap3A_256 = vector.shape_cast %swap3A_255 : vector<1x16xf32> to vector<16xf32>
      %swap3A_257 = vector.shape_cast %add3A_252 : vector<16xf32> to vector<1x16xf32>
      tpu.vector_store %arg11[%swap3A_253, %swap3A_254], %swap3A_257 {strides = array<i32>} : memref<200x64xf32, #tpu.memory_space<vmem>>, vector<1x16xf32>,
      %get3A_258 = arith.index_cast %add3A_231 : i32 to index
      %get3A_259 = arith.constant 32 : index
      %get3A_260 = tpu.vector_load %arg9[%get3A_258, %get3A_259] {strides = array<i32>} : memref<200x64xf32, #tpu.memory_space<vmem>>, vector<1x16xf32>,
      %get3A_261 = vector.shape_cast %get3A_260 : vector<1x16xf32> to vector<16xf32>
      %get3A_262 = arith.index_cast %add3A_231 : i32 to index
      %get3A_263 = arith.constant 32 : index
      %get3A_264 = tpu.vector_load %arg7[%get3A_262, %get3A_263] {strides = array<i32>} : memref<200x64xf32, #tpu.memory_space<vmem>>, vector<1x16xf32>,
      %get3A_265 = vector.shape_cast %get3A_264 : vector<1x16xf32> to vector<16xf32>
      %add3A_266 = arith.addf %get3A_261, %get3A_265 : vector<16xf32>
      %swap3A_267 = arith.index_cast %add3A_231 : i32 to index
      %swap3A_268 = arith.constant 32 : index
      %swap3A_269 = tpu.vector_load %arg11[%swap3A_267, %swap3A_268] {strides = array<i32>} : memref<200x64xf32, #tpu.memory_space<vmem>>, vector<1x16xf32>,
      %swap3A_270 = vector.shape_cast %swap3A_269 : vector<1x16xf32> to vector<16xf32>
      %swap3A_271 = vector.shape_cast %add3A_266 : vector<16xf32> to vector<1x16xf32>
      tpu.vector_store %arg11[%swap3A_267, %swap3A_268], %swap3A_271 {strides = array<i32>} : memref<200x64xf32, #tpu.memory_space<vmem>>, vector<1x16xf32>,
      %get3A_272 = arith.index_cast %add3A_231 : i32 to index
      %get3A_273 = arith.constant 48 : index
      %get3A_274 = tpu.vector_load %arg9[%get3A_272, %get3A_273] {strides = array<i32>} : memref<200x64xf32, #tpu.memory_space<vmem>>, vector<1x16xf32>,
      %get3A_275 = vector.shape_cast %get3A_274 : vector<1x16xf32> to vector<16xf32>
      %get3A_276 = arith.index_cast %add3A_231 : i32 to index
      %get3A_277 = arith.constant 48 : index
      %get3A_278 = tpu.vector_load %arg7[%get3A_276, %get3A_277] {strides = array<i32>} : memref<200x64xf32, #tpu.memory_space<vmem>>, vector<1x16xf32>,
      %get3A_279 = vector.shape_cast %get3A_278 : vector<1x16xf32> to vector<16xf32>
      %add3A_280 = arith.addf %get3A_275, %get3A_279 : vector<16xf32>
      %swap3A_281 = arith.index_cast %add3A_231 : i32 to index
      %swap3A_282 = arith.constant 48 : index
      %swap3A_283 = tpu.vector_load %arg11[%swap3A_281, %swap3A_282] {strides = array<i32>} : memref<200x64xf32, #tpu.memory_space<vmem>>, vector<1x16xf32>,
      %swap3A_284 = vector.shape_cast %swap3A_283 : vector<1x16xf32> to vector<16xf32>
      %swap3A_285 = vector.shape_cast %add3A_280 : vector<16xf32> to vector<1x16xf32>
      tpu.vector_store %arg11[%swap3A_281, %swap3A_282], %swap3A_285 {strides = array<i32>} : memref<200x64xf32, #tpu.memory_space<vmem>>, vector<1x16xf32>,
      %add3A_286 = arith.constant 1 : i32
      %add3A_287 = arith.addi %add3A_229, %add3A_286 : i32
      %get3A_288 = arith.index_cast %add3A_287 : i32 to index
      %get3A_289 = arith.constant 0 : index
      %get3A_290 = tpu.vector_load %arg9[%get3A_288, %get3A_289] {strides = array<i32>} : memref<200x64xf32, #tpu.memory_space<vmem>>, vector<1x16xf32>,
      %get3A_291 = vector.shape_cast %get3A_290 : vector<1x16xf32> to vector<16xf32>
      %get3A_292 = arith.index_cast %add3A_287 : i32 to index
      %get3A_293 = arith.constant 0 : index
      %get3A_294 = tpu.vector_load %arg7[%get3A_292, %get3A_293] {strides = array<i32>} : memref<200x64xf32, #tpu.memory_space<vmem>>, vector<1x16xf32>,
      %get3A_295 = vector.shape_cast %get3A_294 : vector<1x16xf32> to vector<16xf32>
      %add3A_296 = arith.addf %get3A_291, %get3A_295 : vector<16xf32>
      %swap3A_297 = arith.index_cast %add3A_287 : i32 to index
      %swap3A_298 = arith.constant 0 : index
      %swap3A_299 = tpu.vector_load %arg11[%swap3A_297, %swap3A_298] {strides = array<i32>} : memref<200x64xf32, #tpu.memory_space<vmem>>, vector<1x16xf32>,
      %swap3A_300 = vector.shape_cast %swap3A_299 : vector<1x16xf32> to vector<16xf32>
      %swap3A_301 = vector.shape_cast %add3A_296 : vector<16xf32> to vector<1x16xf32>
      tpu.vector_store %arg11[%swap3A_297, %swap3A_298], %swap3A_301 {strides = array<i32>} : memref<200x64xf32, #tpu.memory_space<vmem>>, vector<1x16xf32>,
      %get3A_302 = arith.index_cast %add3A_287 : i32 to index
      %get3A_303 = arith.constant 16 : index
      %get3A_304 = tpu.vector_load %arg9[%get3A_302, %get3A_303] {strides = array<i32>} : memref<200x64xf32, #tpu.memory_space<vmem>>, vector<1x16xf32>,
      %get3A_305 = vector.shape_cast %get3A_304 : vector<1x16xf32> to vector<16xf32>
      %get3A_306 = arith.index_cast %add3A_287 : i32 to index
      %get3A_307 = arith.constant 16 : index
      %get3A_308 = tpu.vector_load %arg7[%get3A_306, %get3A_307] {strides = array<i32>} : memref<200x64xf32, #tpu.memory_space<vmem>>, vector<1x16xf32>,
      %get3A_309 = vector.shape_cast %get3A_308 : vector<1x16xf32> to vector<16xf32>
      %add3A_310 = arith.addf %get3A_305, %get3A_309 : vector<16xf32>
      %swap3A_311 = arith.index_cast %add3A_287 : i32 to index
      %swap3A_312 = arith.constant 16 : index
      %swap3A_313 = tpu.vector_load %arg11[%swap3A_311, %swap3A_312] {strides = array<i32>} : memref<200x64xf32, #tpu.memory_space<vmem>>, vector<1x16xf32>,
      %swap3A_314 = vector.shape_cast %swap3A_313 : vector<1x16xf32> to vector<16xf32>
      %swap3A_315 = vector.shape_cast %add3A_310 : vector<16xf32> to vector<1x16xf32>
      tpu.vector_store %arg11[%swap3A_311, %swap3A_312], %swap3A_315 {strides = array<i32>} : memref<200x64xf32, #tpu.memory_space<vmem>>, vector<1x16xf32>,
      %get3A_316 = arith.index_cast %add3A_287 : i32 to index
      %get3A_317 = arith.constant 32 : index
      %get3A_318 = tpu.vector_load %arg9[%get3A_316, %get3A_317] {strides = array<i32>} : memref<200x64xf32, #tpu.memory_space<vmem>>, vector<1x16xf32>,
      %get3A_319 = vector.shape_cast %get3A_318 : vector<1x16xf32> to vector<16xf32>
      %get3A_320 = arith.index_cast %add3A_287 : i32 to index
      %get3A_321 = arith.constant 32 : index
      %get3A_322 = tpu.vector_load %arg7[%get3A_320, %get3A_321] {strides = array<i32>} : memref<200x64xf32, #tpu.memory_space<vmem>>, vector<1x16xf32>,
      %get3A_323 = vector.shape_cast %get3A_322 : vector<1x16xf32> to vector<16xf32>
      %add3A_324 = arith.addf %get3A_319, %get3A_323 : vector<16xf32>
      %swap3A_325 = arith.index_cast %add3A_287 : i32 to index
      %swap3A_326 = arith.constant 32 : index
      %swap3A_327 = tpu.vector_load %arg11[%swap3A_325, %swap3A_326] {strides = array<i32>} : memref<200x64xf32, #tpu.memory_space<vmem>>, vector<1x16xf32>,
      %swap3A_328 = vector.shape_cast %swap3A_327 : vector<1x16xf32> to vector<16xf32>
      %swap3A_329 = vector.shape_cast %add3A_324 : vector<16xf32> to vector<1x16xf32>
      tpu.vector_store %arg11[%swap3A_325, %swap3A_326], %swap3A_329 {strides = array<i32>} : memref<200x64xf32, #tpu.memory_space<vmem>>, vector<1x16xf32>,
      %get3A_330 = arith.index_cast %add3A_287 : i32 to index
      %get3A_331 = arith.constant 48 : index
      %get3A_332 = tpu.vector_load %arg9[%get3A_330, %get3A_331] {strides = array<i32>} : memref<200x64xf32, #tpu.memory_space<vmem>>, vector<1x16xf32>,
      %get3A_333 = vector.shape_cast %get3A_332 : vector<1x16xf32> to vector<16xf32>
      %get3A_334 = arith.index_cast %add3A_287 : i32 to index
      %get3A_335 = arith.constant 48 : index
      %get3A_336 = tpu.vector_load %arg7[%get3A_334, %get3A_335] {strides = array<i32>} : memref<200x64xf32, #tpu.memory_space<vmem>>, vector<1x16xf32>,
      %get3A_337 = vector.shape_cast %get3A_336 : vector<1x16xf32> to vector<16xf32>
      %add3A_338 = arith.addf %get3A_333, %get3A_337 : vector<16xf32>
      %swap3A_339 = arith.index_cast %add3A_287 : i32 to index
      %swap3A_340 = arith.constant 48 : index
      %swap3A_341 = tpu.vector_load %arg11[%swap3A_339, %swap3A_340] {strides = array<i32>} : memref<200x64xf32, #tpu.memory_space<vmem>>, vector<1x16xf32>,
      %swap3A_342 = vector.shape_cast %swap3A_341 : vector<1x16xf32> to vector<16xf32>
      %swap3A_343 = vector.shape_cast %add3A_338 : vector<16xf32> to vector<1x16xf32>
      tpu.vector_store %arg11[%swap3A_339, %swap3A_340], %swap3A_343 {strides = array<i32>} : memref<200x64xf32, #tpu.memory_space<vmem>>, vector<1x16xf32>,
    }
    %scan3A_176 = arith.constant 100 : i32
    %mul3A_177 = arith.constant 32 : i32
    %mul3A_178 = arith.muli %add3A, %mul3A_177 : i32
    %add3A_179 = arith.constant 29 : i32
    %add3A_180 = arith.addi %mul3A_178, %add3A_179 : i32
    %dma_wait3A_181 = arith.constant 0 : i32
    %dma_wait3A_182 = arith.constant 0 : i32
    %dma_wait3A_183 = tpu.memref_slice %arg5[%add3A_180, %dma_wait3A_181, %dma_wait3A_182] : memref<1024x200x64xf32, #tpu.memory_space<hbm>> -> memref<1x200x64xf32, #tpu.memory_space<hbm>>
    %dma_wait3A_184 = tpu.memref_squeeze %dma_wait3A_183 : memref<1x200x64xf32, #tpu.memory_space<hbm>> -> memref<200x64xf32, #tpu.memory_space<hbm>>
    %dma_wait3A_185 = arith.constant 0 : i32
    %dma_wait3A_186 = arith.constant 0 : i32
    %dma_wait3A_187 = tpu.memref_slice %arg5[%add3A_180, %dma_wait3A_185, %dma_wait3A_186] : memref<1024x200x64xf32, #tpu.memory_space<hbm>> -> memref<1x200x64xf32, #tpu.memory_space<hbm>>
    %dma_wait3A_188 = tpu.memref_squeeze %dma_wait3A_187 : memref<1x200x64xf32, #tpu.memory_space<hbm>> -> memref<200x64xf32, #tpu.memory_space<hbm>>
    tpu.wait_dma2 semaphore(%arg15 : memref<!tpu.dma_semaphore, #tpu.memory_space<semaphore_mem>>) src(%arg11 : memref<200x64xf32, #tpu.memory_space<vmem>>) dst(%dma_wait3A_188 : memref<200x64xf32, #tpu.memory_space<hbm>>)
    %mul3A_189 = arith.constant 32 : i32
    %mul3A_190 = arith.muli %add3A, %mul3A_189 : i32
    %add3A_191 = arith.constant 31 : i32
    %add3A_192 = arith.addi %mul3A_190, %add3A_191 : i32
    %dma_start3A_193 = arith.constant 0 : i32
    %dma_start3A_194 = arith.constant 0 : i32
    %dma_start3A_195 = tpu.memref_slice %arg5[%add3A_192, %dma_start3A_193, %dma_start3A_194] : memref<1024x200x64xf32, #tpu.memory_space<hbm>> -> memref<1x200x64xf32, #tpu.memory_space<hbm>>
    %dma_start3A_196 = tpu.memref_squeeze %dma_start3A_195 : memref<1x200x64xf32, #tpu.memory_space<hbm>> -> memref<200x64xf32, #tpu.memory_space<hbm>>
    %dma_start3A_197 = arith.constant 0 : i32
    %dma_start3A_198 = arith.constant 0 : i32
    %dma_start3A_199 = tpu.memref_slice %arg5[%add3A_192, %dma_start3A_197, %dma_start3A_198] : memref<1024x200x64xf32, #tpu.memory_space<hbm>> -> memref<1x200x64xf32, #tpu.memory_space<hbm>>
    %dma_start3A_200 = tpu.memref_squeeze %dma_start3A_199 : memref<1x200x64xf32, #tpu.memory_space<hbm>> -> memref<200x64xf32, #tpu.memory_space<hbm>>
    tpu.enqueue_dma source(%arg11 : memref<200x64xf32, #tpu.memory_space<vmem>>) target(%dma_start3A_200 : memref<200x64xf32, #tpu.memory_space<hbm>>) target_semaphore(%arg15 : memref<!tpu.dma_semaphore, #tpu.memory_space<semaphore_mem>>)
    %mul3A_201 = arith.constant 32 : i32
    %mul3A_202 = arith.muli %add3A, %mul3A_201 : i32
    %add3A_203 = arith.constant 30 : i32
    %add3A_204 = arith.addi %mul3A_202, %add3A_203 : i32
    %dma_wait3A_205 = arith.constant 0 : i32
    %dma_wait3A_206 = arith.constant 0 : i32
    %dma_wait3A_207 = tpu.memref_slice %arg5[%add3A_204, %dma_wait3A_205, %dma_wait3A_206] : memref<1024x200x64xf32, #tpu.memory_space<hbm>> -> memref<1x200x64xf32, #tpu.memory_space<hbm>>
    %dma_wait3A_208 = tpu.memref_squeeze %dma_wait3A_207 : memref<1x200x64xf32, #tpu.memory_space<hbm>> -> memref<200x64xf32, #tpu.memory_space<hbm>>
    %dma_wait3A_209 = arith.constant 0 : i32
    %dma_wait3A_210 = arith.constant 0 : i32
    %dma_wait3A_211 = tpu.memref_slice %arg5[%add3A_204, %dma_wait3A_209, %dma_wait3A_210] : memref<1024x200x64xf32, #tpu.memory_space<hbm>> -> memref<1x200x64xf32, #tpu.memory_space<hbm>>
    %dma_wait3A_212 = tpu.memref_squeeze %dma_wait3A_211 : memref<1x200x64xf32, #tpu.memory_space<hbm>> -> memref<200x64xf32, #tpu.memory_space<hbm>>
    tpu.wait_dma2 semaphore(%arg14 : memref<!tpu.dma_semaphore, #tpu.memory_space<semaphore_mem>>) src(%arg10 : memref<200x64xf32, #tpu.memory_space<vmem>>) dst(%dma_wait3A_212 : memref<200x64xf32, #tpu.memory_space<hbm>>)
    %mul3A_213 = arith.constant 32 : i32
    %mul3A_214 = arith.muli %add3A, %mul3A_213 : i32
    %add3A_215 = arith.constant 31 : i32
    %add3A_216 = arith.addi %mul3A_214, %add3A_215 : i32
    %dma_wait3A_217 = arith.constant 0 : i32
    %dma_wait3A_218 = arith.constant 0 : i32
    %dma_wait3A_219 = tpu.memref_slice %arg5[%add3A_216, %dma_wait3A_217, %dma_wait3A_218] : memref<1024x200x64xf32, #tpu.memory_space<hbm>> -> memref<1x200x64xf32, #tpu.memory_space<hbm>>
    %dma_wait3A_220 = tpu.memref_squeeze %dma_wait3A_219 : memref<1x200x64xf32, #tpu.memory_space<hbm>> -> memref<200x64xf32, #tpu.memory_space<hbm>>
    %dma_wait3A_221 = arith.constant 0 : i32
    %dma_wait3A_222 = arith.constant 0 : i32
    %dma_wait3A_223 = tpu.memref_slice %arg5[%add3A_216, %dma_wait3A_221, %dma_wait3A_222] : memref<1024x200x64xf32, #tpu.memory_space<hbm>> -> memref<1x200x64xf32, #tpu.memory_space<hbm>>
    %dma_wait3A_224 = tpu.memref_squeeze %dma_wait3A_223 : memref<1x200x64xf32, #tpu.memory_space<hbm>> -> memref<200x64xf32, #tpu.memory_space<hbm>>
    tpu.wait_dma2 semaphore(%arg15 : memref<!tpu.dma_semaphore, #tpu.memory_space<semaphore_mem>>) src(%arg11 : memref<200x64xf32, #tpu.memory_space<vmem>>) dst(%dma_wait3A_224 : memref<200x64xf32, #tpu.memory_space<hbm>>)
    return
  }
}

</mosaic_0001>

<sc_bundles>
// kernel: _emb.3.cloned.1.call-start
scs
__scs_entry_jumppad:
0x0: {  	(pc) =	sbr.rel $0x88, $3  }
0x1: {  	(tag) =	ssettag $0x0;
	lr =	simm.s32 $0x1  }
0x2: {  	[smem:$0x3F9E] =	sst lr;
	_ =	strace $0xD0000000  }
0x3: {  	_ = 	snop  }
0x4: {  	_ = 	snop  }
0x5: {  	_ = 	snop  }
0x6: {  	_ = 	snop  }
0x7: {  	_ = 	snop  }
__scs_overlays_trampoline_lowered:
0x8: {  	[smem:$0x3FAD] =	sst s0  }
0x9: {  	[smem:$0x3FAE] =	sst s1  }
0xa: {  	[smem:$0x3FAF] =	sst s2  }
0xb: {  	[smem:$0x3FB0] =	sst s3  }
0xc: {  	[smem:$0x3FB1] =	sst s4  }
0xd: {  	[smem:$0x3FB2] =	sst s5  }
0xe: {  	[smem:$0x3FB3] =	sst s6  }
0xf: {  	[smem:$0x3FB4] =	sst s7  }
0x10: {  	[smem:$0x3FB5] =	sst s8  }
0x11: {  	[smem:$0x3FB6] =	sst s9;
	s0 =	simm.s32 @!p0 $0x0  }
0x12: {  	s1 =	sld [smem:$0x3F9C];
	s0 =	simm.s32 @p0 $0x1  }
0x13: {  	[smem:$0x3FB7] =	sst s0;
	s0 =	simm.s32 @!p1 $0x0  }
0x14: {  	s2 =	sld [smem:$0x3F9B];
	s0 =	simm.s32 @p1 $0x1  }
0x15: {  	[smem:$0x3FB8] =	sst s0;
	s0 =	simm.s32 @!p2 $0x0  }
0x16: {  	s3 =	sld [smem:$0x3FDB];
	s0 =	simm.s32 @p2 $0x1  }
0x17: {  	s4 =	simm.s32 $0x1BF5;
	[smem:$0x3FBA] =	sst s0  }
0x18: {  	s0 =	sld [smem:$0x3F9D];
	_ =	swait.ge [sflag:s4], $0x0  }
0x19: {  	s7 =	sld [smem:$0x3F9E]  }
0x1a: {  	s8 =	sadd.s32 $0xFFFFE003, lr  }
0x1b: {  	s9 =	sadd.s32 $0xFFFFFEF7, lr;
	s5 =	simm.s32 $0xFFFFFFFF;
	p2 =	slt.u32 s8, $0xFFFFF086  }
0x1c: {  	p1 =	slt.u32 s9, $0xF7A;
	s5 =	simm.s32 @!p2 $0x0  }
0x1d: {  	s5 =	simm.s32 @p1 $0x1;
	p0 =	seq.s32 s7, s2  }
0x1e: {  	s7 =	smul.u32 @!p0 $0xF7A, s2;
	p2 =	seq.s32 @!p0 s5, $0x0  }
0x1f: {  	s9 =	smul.u32 $0xF7A, s1;
	s8 =	simm.s32 @!p0 $0x1BF5;
	p2 =	por !p2, p0  }
0x20: {  	[sflag:s8] =	ssyncset.s32 @!p0 $0xFFFFF086;
	s6 =	sadd.s32 @!p0 s3, s7;
	s7 =	simm.s32 @!p0 $0x108  }
0x21: {  	s3 =	sadd.s32 s3, s9;
	s6 =	sadd.s32 @!p0 $0x88, s6;
	s7 =	simm.s32 @p2 $0x1082  }
0x22: {  	[simem:s7], [sflag:s8] =	dma.local @!p0 [hbm:s6], $0xF7A  }
0x23: {  	s9 =	sor.u32 $0xD0000000, s2;
	s6 =	simm.s32 $0x108;
	_ =	swait.ge @!p0 [sflag:s8], $0x0  }
0x24: {  	s3 =	sadd.s32 $0x88, s3;
	s6 =	simm.s32 @!p1 $0x1082;
	[sflag:s4] =	ssyncset.s32 $0xFFFFF086  }
0x25: {  	[simem:s6], [sflag:s4] =	dma.local [hbm:s3], $0xF7A  }
0x26: {  	[smem:$0x3F9E] =	sst s1;
	(tag) =	ssettag s2;
	_ =	strace s9  }
0x27: {  	s1 =	sld [smem:$0x3FAE]  }
0x28: {  	s2 =	sld [smem:$0x3FAF]  }
0x29: {  	s4 =	sld [smem:$0x3FB1]  }
0x2a: {  	p0 =	seq.s32 s5, $0x0;
	s5 =	sld [smem:$0x3FB2]  }
0x2b: {  	s6 =	sld [smem:$0x3FB3]  }
0x2c: {  	s7 =	sld [smem:$0x3FB4]  }
0x2d: {  	s3 =	simm.s32 $0x108;
	s8 =	sld [smem:$0x3FB5]  }
0x2e: {  	s3 =	simm.s32 @!p0 $0x1082;
	s9 =	sld [smem:$0x3FB6]  }
0x2f: {  	lr =	sadd.s32 s0, s3;
	s0 =	sld [smem:$0x3FAD]  }
0x30: {  	s3 =	sld [smem:$0x3FB0]  }
0x31: {  	[smem:$0x3FB9] =	sst s10  }
0x32: {  	s10 =	sld [smem:$0x3FB7];
	_ =	sdelay $0x3  }
0x33: {  	p0 =	seq.s32 s10, $0x1;
	s10 =	sld [smem:$0x3FB9];
	_ =	sdelay $0x3  }
0x34: {  	[smem:$0x3FB9] =	sst s10  }
0x35: {  	s10 =	sld [smem:$0x3FB8];
	_ =	sdelay $0x3  }
0x36: {  	p1 =	seq.s32 s10, $0x1;
	s10 =	sld [smem:$0x3FB9];
	_ =	sdelay $0x3  }
0x37: {  	[smem:$0x3FB9] =	sst s10  }
0x38: {  	s10 =	sld [smem:$0x3FBA]  }
0x39: {  	_ = 	snop;
	(pc) =	sbr.ind lr, $3  }
0x3a: {  	_ = 	snop  }
0x3b: {  	_ = 	snop  }
0x3c: {  	p2 =	seq.s32 s10, $0x1;
	s10 =	sld [smem:$0x3FB9]  }
0x3d: {  	_ =	shalt  }
0x3e: {  	_ =	shalt  }
0x3f: {  	_ =	shalt  }
0x40: {  	_ =	shalt  }
0x41: {  	_ =	shalt  }
0x42: {  	_ =	shalt  }
0x43: {  	_ =	shalt  }
0x44: {  	_ =	shalt  }
0x45: {  	_ =	shalt  }
0x46: {  	_ =	shalt  }
0x47: {  	_ =	shalt  }
0x48: {  	_ =	shalt  }
0x49: {  	_ =	shalt  }
0x4a: {  	_ =	shalt  }
0x4b: {  	_ =	shalt  }
0x4c: {  	_ =	shalt  }
0x4d: {  	_ =	shalt  }
0x4e: {  	_ =	shalt  }
0x4f: {  	_ =	shalt  }
0x50: {  	_ =	shalt  }
0x51: {  	_ =	shalt  }
0x52: {  	_ =	shalt  }
0x53: {  	_ =	shalt  }
0x54: {  	_ =	shalt  }
0x55: {  	_ =	shalt  }
0x56: {  	_ =	shalt  }
0x57: {  	_ =	shalt  }
0x58: {  	_ =	shalt  }
0x59: {  	_ =	shalt  }
0x5a: {  	_ =	shalt  }
0x5b: {  	_ =	shalt  }
0x5c: {  	_ =	shalt  }
0x5d: {  	_ =	shalt  }
0x5e: {  	_ =	shalt  }
0x5f: {  	_ =	shalt  }
0x60: {  	_ =	shalt  }
0x61: {  	_ =	shalt  }
0x62: {  	_ =	shalt  }
0x63: {  	_ =	shalt  }
0x64: {  	_ =	shalt  }
0x65: {  	_ =	shalt  }
0x66: {  	_ =	shalt  }
0x67: {  	_ =	shalt  }
0x68: {  	_ =	shalt  }
0x69: {  	_ =	shalt  }
0x6a: {  	_ =	shalt  }
0x6b: {  	_ =	shalt  }
0x6c: {  	_ =	shalt  }
0x6d: {  	_ =	shalt  }
0x6e: {  	_ =	shalt  }
0x6f: {  	_ =	shalt  }
0x70: {  	_ =	shalt  }
0x71: {  	_ =	shalt  }
0x72: {  	_ =	shalt  }
0x73: {  	_ =	shalt  }
0x74: {  	_ =	shalt  }
0x75: {  	_ =	shalt  }
0x76: {  	_ =	shalt  }
0x77: {  	_ =	shalt  }
0x78: {  	_ =	shalt  }
0x79: {  	_ =	shalt  }
0x7a: {  	_ =	shalt  }
0x7b: {  	_ =	shalt  }
0x7c: {  	_ =	shalt  }
0x7d: {  	_ =	shalt  }
0x7e: {  	_ =	shalt  }
0x7f: {  	_ =	shalt  }
0x80: {  	_ =	shalt  }
0x81: {  	_ =	shalt  }
0x82: {  	_ =	shalt  }
0x83: {  	_ =	shalt  }
0x84: {  	_ =	shalt  }
0x85: {  	_ =	shalt  }
0x86: {  	_ =	shalt  }
0x87: {  	_ =	shalt  }
.Lfunc_end0:
.L_simem_size_0:
called_computation.1_lowered:
.L_overlay_start_0:
0x88: {  	s2 =	sld [smem:$0x3FD9]  }
0x89: {  	s3 =	sld [smem:$0x3FFE];
	_ =	sdelay $0x1  }
0x8a: {  	s1 =	srdreg.scid  }
0x8b: {  	s0 =	sand.u32 $0x1, s1  }
0x8c: {  	s17 =	sshll.u32 s0, $0xA;
	s2 =	sadd.s32 s3, s2  }
0x8d: {  	s2 =	sadd.s32 s2, s17  }
0x8e: {  	[smem:$0x3FC5] =	sst s2  }
0x8f: {  	_ = 	snop  }
0x90: {  	s2 =	sld [smem:$0x3FD0];
	(tm) =	ssettm $0x1  }
0x91: {  	s18 =	sld [smem:$0x3FFB];
	_ =	sdelay $0x3  }
0x92: {  	_ =	strace s18  }
0x93: {  	s3 =	sld [smem:$0x3FFC];
	_ =	sdelay $0x3  }
0x94: {  	_ =	strace s3  }
0x95: {  	s3 =	sld [smem:$0x3FFD];
	_ =	sdelay $0x3  }
0x96: {  	_ =	strace s3  }
0x97: {  	_ =	strace $0x8FFFFFFF  }
0x98: {  	s19 =	sld [smem:$0x3FDB];
	_ =	sdelay $0x1  }
0x99: {  	s4 =	simm.s32 $_scs_section_size  }
0x9a: {  	s5 =	simm.s32 $_size__tile_overlayer_lowered;
	s6 =	simm.s32 $_tile_overlayer_lowered  }
0x9b: {  	s22 =	simm.s32 $0x1BFF;
	s21 =	sshll.u32 s6, $0x1;
	s3 =	sadd.s32 s4, s19  }
0x9c: {  	s7 =	simm.s32 $0x0;
	s20 =	sshll.u32 s5, $0x1;
	s5 =	sadd.s32 s21, s3  }
0x9d: {  	[timem:s7], [sflag:s22] =	dma.local [hbm:s5], s20  }
0x9e: {  	_ =	swait.ge [sflag:s22], s20  }
0x9f: {  	s4 =	ssub.s32 $0x0, s20;
	[sflag:s22] =	ssyncset.done $0x0  }
0xa0: {  	[sflag:s22] =	ssyncadd.s32 s4;
	_ =	sdelay $0x1  }
0xa1: {  	s23 =	simm.s32 $0x1B8B  }
0xa2: {  	_ =	swait.ge [sflag:s23], $0x1  }
0xa3: {  	[sflag:s23] =	ssyncset.done $0x0  }
0xa4: {  	s25 =	simm.s32 $0x1B8E;
	s24 =	sld [smem:$0x3FFE];
	[sflag:s23] =	ssyncadd.s32 $0xFFFFFFFF  }
0xa5: {  	s26 =	simm.s32 $execute0_lowered;
	[smem:$0x3FD2] =	sst s25  }
0xa6: {  	s5 =	sshll.u32 s26, $0x1;
	_ =	strace $0x80000046;
	[dreg:$0x1] =	wrdreg $0xFFFFFFFF  }
0xa7: {  	s28 =	simm.s32 $_size_execute0_lowered;
	s3 =	sadd.s32 s3, s5;
	[dreg:$0x0] =	wrdreg $0x0  }
0xa8: {  	s5 =	sshll.u32 s28, $0x1;
	[dreg:$0x2] =	wrdreg s3  }
0xa9: {  	[dreg:$0x3] =	wrdreg s5  }
0xaa: {  	[dreg:$0x4] =	wrdreg $0xC0  }
0xab: {  	_ =	task [dreg:s7], $0x5FFFF  }
0xac: {  	[dreg:$0x1] =	wrdreg $0xFFFFFFFF  }
0xad: {  	[dreg:$0x0] =	wrdreg $0x60  }
0xae: {  	[dreg:$0x2] =	wrdreg s24  }
0xaf: {  	[dreg:$0x3] =	wrdreg s2  }
0xb0: {  	[dreg:$0x4] =	wrdreg $0x9  }
0xb1: {  	_ =	task.clear_ibuf [dreg:s7], $0x5FFFF;
	_ =	strace $0x90000046  }
0xb2: {  	s29 =	simm.s32 $0x9;
	_ =	strace $0x80000048  }
0xb3: {  	_ =	swait.ge [sflag:s29], $0x1  }
0xb4: {  	[sflag:s29] =	ssyncadd.s32 $0xFFFFFFFF  }
0xb5: {  	_ =	strace $0x90000048  }
0xb6: {  	_ =	sfence  }
0xb7: {  	s30 =	sld [smem:$0x0];
	_ =	sdelay $0x2  }
0xb8: {  	s31 =	sshll.u32 s1, $0xD;
	s1 =	sshrl.u32 s1, $0x2  }
0xb9: {  	s3 =	sand.u32 $0x4000, s31;
	s1 =	sadd.s32 s1, s30  }
0xba: {  	s0 =	sor.u32 s3, s0;
	s1 =	sshll.u32 s1, $0x11  }
0xbb: {  	s0 =	sor.u32 s1, s0  }
0xbc: {  	s0 =	sadd.s32 $0x8F2B, s0  }
0xbd: {  	[sflag:s0] =	ssyncadd.remote.s32 $0x1  }
0xbe: {  	_ =	sfence.sel $0xFFFF  }
0xbf: {  	[dreg:$0x0] =	wrdreg $0xFFFFFFFF;
	(pc) =	sbr.abs _section_cstart, $3  }
0xc0: {  	[dreg:$0x1] =	wrdreg $0xFFFFFFFF  }
0xc1: {  	_ =	task.clear_ibuf [dreg:s7], $0x2FFFF;
	_ =	strace $0x9FFFFFFF  }
0xc2: {  	(tm) =	ssettm $0x7FFFFFFF  }
0xc3: {  	_ =	shalt  }
tec
execute0_lowered:
.L_overlay_start_1:
0x0: {  	(tag) =	ssettag $0x1  }
0x1: {  	s0 =	rddreg [dreg:$0x0]  }
0x2: {  	s2 =	rddreg [dreg:$0x1];
	s1 =	srdreg.scid  }
0x3: {  	s4 =	stileid.u32;
	s3 =	simm.s32 $0x0;
	s14 =	simm.s32 $0x5  }
0x4: {  	s16 =	simm.s32 $0x80;
	s17 =	simm.s32 $0x4B00;
	s18 =	simm.s32 $0x48  }
0x5: {  	s19 =	simm.s32 $0x6B00;
	s21 =	simm.s32 $0x7D00;
	s23 =	simm.s32 $0x9D00  }
0x6: {  	s24 =	simm.s32 $0x1;
	s25 =	simm.s32 $0xAF00;
	s29 =	simm.s32 $0x2  }
0x7: {  	s30 =	simm.s32 $0xE100;
	s15 =	simm.s32 $0x4;
	s1 =	sand.u32 $0x1, s1  }
0x8: {  	s20 =	simm.s32 $0x0;
	s4 =	sshll.u32 s4, $0x6;
	s5 =	sshll.u32 s1, $0x5  }
0x9: {  	[smem:$0x7FF] =	sst s3;
	s1 =	ssub.s32 $0x2, s1;
	s5 =	sor.u32 s5, s4  }
0xa: {  	_ =	strace $0x80000047;
	s26 =	sshrl.u32 s1, $0x1;
	s6 =	smul.u32 $0x19, s5  }
0xb: {  	s4 =	sadd.s32 $0xF43000, s0;
	s7 =	smul.u32 $0x640, s5;
	s28 =	ssub.s32 s1, s26  }
0xc: {  	s9 =	smul.u32 $0x3200, s5;
	s10 =	sor.u32 $0x3, s5;
	s13 =	smax.u32 s28, $0x1  }
0xd: {  	s8 =	sadd.s32 s6, s0;
	s0 =	sadd.s32 $0x7000, s0;
	s6 =	sadd.s32 s2, s7  }
0xe: {  	s31 =	sshrl.u32 s9, $0x3;
	s9 =	sor.u32 $0x2, s5;
	[dreg:$0x3] =	wrdreg s0  }
0xf: {  	s7 =	sadd.s32 $0xC00, s8;
	s8 =	sadd.s32 $0x640, s6;
	s1 =	sadd.s32 s2, s31  }
0x10: {  	s11 =	sadd.s32 $0xBB80, s1;
	s12 =	sadd.s32 $0xC1C0, s1;
	s1 =	simm.s32 $0x3  }
.LBB2_1:
0x11: {  	[tilespmem:s3], [sflag:$0x5] =	stream.linear.gather [hbm4b:s7+s3], $0x1900, $0x38;
	[tilespmem:$0x11300] =	vst v63  }
0x12: {  	_ =	swait.ge [sflag:s14], $0x1900  }
0x13: {  	[sflag:s14] =	ssyncset.done $0x0  }
0x14: {  	s5 =	simm.s32 $0x1900;
	s0 =	rddreg [dreg:$0x3];
	[sflag:s14] =	ssyncadd.s32 $0xFFFFE700  }
0x15: {  	[tilespmem:s5], [sflag:$0x5] =	stream.linear.gather [hbm4b:s0+s3], $0x3200, $0x38;
	[tilespmem:$0x11300] =	vst v63  }
0x16: {  	_ =	swait.ge [sflag:s14], $0x3200  }
0x17: {  	[sflag:s14] =	ssyncset.done $0x0  }
0x18: {  	[sflag:s14] =	ssyncadd.s32 $0xFFFFCE00  }
0x19: {  	[tilespmem:s17], [sflag:$0x1] =	stream.indirect.gather [hbm4b:s4+s16], $0x40, s3, s16, $0xb8;
	[tilespmem:$0x11300] =	vst v63  }
0x1a: {  	_ = 	snop  }
0x1b: {  	[tilespmem:s19], [sflag:$0x1] =	stream.indirect.gather [hbm4b:s4+s18], $0x40, s16, s18, $0xb8;
	[tilespmem:$0x11300] =	vst v63  }
0x1c: {  	s28 =	simm.s32 $0xC8  }
0x1d: {  	[tilespmem:s21], [sflag:$0x2] =	stream.indirect.gather [hbm4b:s4+s16], $0x40, s28, s16, $0xb8;
	[tilespmem:$0x11300] =	vst v63  }
0x1e: {  	s31 =	simm.s32 $0x148  }
0x1f: {  	[tilespmem:s23], [sflag:$0x2] =	stream.indirect.gather [hbm4b:s4+s18], $0x40, s31, s18, $0xb8;
	[tilespmem:$0x11300] =	vst v63  }
0x20: {  	_ =	swait.ge [sflag:s24], $0x3200  }
0x21: {  	[sflag:s24] =	ssyncset.done $0x0  }
0x22: {  	s22 =	simm.s32 $0x70;
	[sflag:s24] =	ssyncadd.s32 $0xFFFFCE00  }
0x23: {  	v0 =	vld [tilespmem:s22+$0x4B00]  }
0x24: {  	v1 =	vld [tilespmem:s22+$0x1900]  }
0x25: {  	v2 =	vld [tilespmem:s22+$0x4A90]  }
0x26: {  	v3 =	vld [tilespmem:s22+$0x1890]  }
0x27: {  	v4 =	vld [tilespmem:s22+$0x4AA0]  }
0x28: {  	v5 =	vld [tilespmem:s22+$0x18A0]  }
0x29: {  	v6 =	vld [tilespmem:s22+$0x4AB0]  }
0x2a: {  	v7 =	vld [tilespmem:s22+$0x4AC0]  }
0x2b: {  	v0 =	vadd.f32 v1, v0;
	v1 =	vld [tilespmem:s22+$0x18B0]  }
0x2c: {  	v8 =	vld [tilespmem:s22+$0x18C0]  }
0x2d: {  	v9 =	vld [tilespmem:s22+$0x18D0];
	v2 =	vadd.f32 v3, v2  }
0x2e: {  	[tilespmem:s22+$0xAF00] =	vst v0;
	v0 =	vadd.f32 v5, v4;
	v5 =	vld [tilespmem:s22+$0x4AD0]  }
0x2f: {  	v3 =	vld [tilespmem:s22+$0x18E0];
	[tilespmem:s22+$0xAE90] =	vst v2  }
0x30: {  	v2 =	vld [tilespmem:s22+$0x4AE0];
	[tilespmem:s22+$0xAEA0] =	vst v0;
	v0 =	vadd.f32 v1, v6  }
0x31: {  	v4 =	vld [tilespmem:s22+$0x18F0];
	v6 =	vadd.f32 v8, v7  }
0x32: {  	s26 =	simm.s32 $0xF0;
	[tilespmem:s22+$0xAEB0] =	vst v0;
	v0 =	vld [tilespmem:s22+$0x4AF0]  }
0x33: {  	s0 =	simm.s32 $0x5C0;
	v5 =	vadd.f32 v9, v5;
	v1 =	vld [tilespmem:s26+$0x4B00];
	[tilespmem:s22+$0xAEC0] =	vst v6  }
.LBB2_2:
0x34: {  	p0 =	sne.s32 s0, $0xC7C0;
	v6 =	vld [tilespmem:s26+$0x1900]  }
0x35: {  	v7 =	vld [tilespmem:s26+$0x4A90];
	[tilespmem:s22+$0xAED0] =	vst v5;
	v2 =	vadd.f32 v3, v2  }
0x36: {  	v3 =	vld [tilespmem:s26+$0x1890]  }
0x37: {  	v5 =	vld [tilespmem:s26+$0x4AA0];
	[tilespmem:s22+$0xAEE0] =	vst v2;
	v0 =	vadd.f32 v4, v0  }
0x38: {  	v2 =	vld [tilespmem:s26+$0x18A0]  }
0x39: {  	v4 =	vld [tilespmem:s26+$0x4AB0];
	v1 =	vadd.f32 v6, v1;
	[tilespmem:s22+$0xAEF0] =	vst v0;
	s22 =	smov.u32 s26  }
0x3a: {  	v0 =	vld [tilespmem:s22+$0x18B0]  }
0x3b: {  	v3 =	vadd.f32 v3, v7;
	v6 =	vld [tilespmem:s22+$0x4AC0];
	[tilespmem:s22+$0xAF00] =	vst v1  }
0x3c: {  	v1 =	vld [tilespmem:s22+$0x18C0]  }
0x3d: {  	[tilespmem:s22+$0xAE90] =	vst v3;
	v2 =	vadd.f32 v2, v5;
	v5 =	vld [tilespmem:s22+$0x4AD0]  }
0x3e: {  	v7 =	vld [tilespmem:s22+$0x18D0]  }
.Ltmp0:
0x3f: {  	[tilespmem:s22+$0xAEA0] =	vst v2;
	v0 =	vadd.f32 v0, v4;
	v2 =	vld [tilespmem:s22+$0x4AE0];
	(pc) =	sbr.rel @p0 .LBB2_2-.Ltmp0, $4  }
0x40: {  	v3 =	vld [tilespmem:s22+$0x18E0]  }
0x41: {  	[tilespmem:s22+$0xAEB0] =	vst v0;
	v6 =	vadd.f32 v1, v6;
	v0 =	vld [tilespmem:s22+$0x4AF0]  }
0x42: {  	s26 =	sshra.s32 s0, $0x2;
	v4 =	vld [tilespmem:s22+$0x18F0]  }
0x43: {  	s0 =	sadd.s32 $0x200, s0;
	v1 =	vld [tilespmem:s26+$0x4B00];
	[tilespmem:s22+$0xAEC0] =	vst v6;
	v5 =	vadd.f32 v7, v5  }
0x44: {  	v6 =	vld [tilespmem:s26+$0x1900]  }
0x45: {  	v7 =	vld [tilespmem:s26+$0x4A90];
	[tilespmem:s22+$0xAED0] =	vst v5;
	v2 =	vadd.f32 v3, v2  }
0x46: {  	v3 =	vld [tilespmem:s26+$0x1890]  }
0x47: {  	v5 =	vld [tilespmem:s26+$0x4AA0];
	[tilespmem:s22+$0xAEE0] =	vst v2;
	v0 =	vadd.f32 v4, v0  }
0x48: {  	v2 =	vld [tilespmem:s26+$0x18A0]  }
0x49: {  	v4 =	vld [tilespmem:s26+$0x4AB0];
	[tilespmem:s22+$0xAEF0] =	vst v0  }
0x4a: {  	v0 =	vadd.f32 v6, v1;
	v1 =	vld [tilespmem:s26+$0x18B0]  }
0x4b: {  	v6 =	vld [tilespmem:s26+$0x4AC0]  }
0x4c: {  	v3 =	vadd.f32 v3, v7;
	[tilespmem:s26+$0xAF00] =	vst v0;
	v0 =	vld [tilespmem:s26+$0x18C0]  }
0x4d: {  	v7 =	vld [tilespmem:s26+$0x18F0]  }
0x4e: {  	[tilespmem:s26+$0xAE90] =	vst v3;
	v2 =	vadd.f32 v2, v5;
	v3 =	vld [tilespmem:s26+$0x4AD0]  }
0x4f: {  	v5 =	vld [tilespmem:s26+$0x18D0]  }
0x50: {  	[tilespmem:s26+$0xAEA0] =	vst v2;
	v1 =	vadd.f32 v1, v4;
	v2 =	vld [tilespmem:s26+$0x4AE0]  }
0x51: {  	v4 =	vld [tilespmem:s26+$0x18E0]  }
0x52: {  	[tilespmem:s26+$0xAEB0] =	vst v1;
	v1 =	vld [tilespmem:s26+$0x4AF0];
	_ =	sdelay $0x1  }
0x53: {  	v0 =	vadd.f32 v0, v6  }
0x54: {  	v3 =	vadd.f32 v5, v3  }
0x55: {  	[tilespmem:s26+$0xAEC0] =	vst v0;
	v0 =	vadd.f32 v4, v2  }
0x56: {  	[tilespmem:s26+$0xAED0] =	vst v3;
	v1 =	vadd.f32 v7, v1  }
0x57: {  	[tilespmem:s26+$0xAEE0] =	vst v0  }
0x58: {  	[tilespmem:s26+$0xAEF0] =	vst v1  }
0x59: {  	[hbm4b:s6+s3] =	stream.linear.scatter [tilespmem:s25], [sflag:$0x3], $0x3200, $0x38;
	[tilespmem:$0x11300] =	vst v63  }
0x5a: {  	s0 =	simm.s32 $0x190  }
0x5b: {  	[tilespmem:s17], [sflag:$0x1] =	stream.indirect.gather [hbm4b:s4+s16], $0x40, s0, s16, $0xb8;
	[tilespmem:$0x11300] =	vst v63  }
0x5c: {  	s31 =	simm.s32 $0x210  }
0x5d: {  	[tilespmem:s19], [sflag:$0x1] =	stream.indirect.gather [hbm4b:s4+s18], $0x40, s31, s18, $0xb8;
	[tilespmem:$0x11300] =	vst v63  }
0x5e: {  	_ =	swait.ge [sflag:s29], $0x3200  }
0x5f: {  	[sflag:s29] =	ssyncset.done $0x0  }
0x60: {  	s22 =	simm.s32 $0x70;
	[sflag:s29] =	ssyncadd.s32 $0xFFFFCE00  }
0x61: {  	v0 =	vld [tilespmem:s22+$0x7D00]  }
0x62: {  	v1 =	vld [tilespmem:s22+$0x1900]  }
0x63: {  	v2 =	vld [tilespmem:s22+$0x7C90]  }
0x64: {  	v3 =	vld [tilespmem:s22+$0x1890]  }
0x65: {  	v4 =	vld [tilespmem:s22+$0x7CA0]  }
0x66: {  	v5 =	vld [tilespmem:s22+$0x18A0]  }
0x67: {  	v6 =	vld [tilespmem:s22+$0x7CB0]  }
0x68: {  	v7 =	vld [tilespmem:s22+$0x7CC0]  }
0x69: {  	v0 =	vadd.f32 v1, v0;
	v1 =	vld [tilespmem:s22+$0x18B0]  }
0x6a: {  	v8 =	vld [tilespmem:s22+$0x18C0]  }
0x6b: {  	v9 =	vld [tilespmem:s22+$0x18D0];
	v2 =	vadd.f32 v3, v2  }
0x6c: {  	[tilespmem:s22+$0xE100] =	vst v0;
	v0 =	vadd.f32 v5, v4;
	v5 =	vld [tilespmem:s22+$0x7CD0]  }
0x6d: {  	v3 =	vld [tilespmem:s22+$0x18E0];
	[tilespmem:s22+$0xE090] =	vst v2  }
0x6e: {  	v2 =	vld [tilespmem:s22+$0x7CE0];
	[tilespmem:s22+$0xE0A0] =	vst v0;
	v0 =	vadd.f32 v1, v6  }
0x6f: {  	v4 =	vld [tilespmem:s22+$0x18F0];
	v6 =	vadd.f32 v8, v7  }
0x70: {  	s26 =	simm.s32 $0xF0;
	[tilespmem:s22+$0xE0B0] =	vst v0;
	v0 =	vld [tilespmem:s22+$0x7CF0]  }
0x71: {  	s0 =	simm.s32 $0x5C0;
	v5 =	vadd.f32 v9, v5;
	v1 =	vld [tilespmem:s26+$0x7D00];
	[tilespmem:s22+$0xE0C0] =	vst v6  }
.LBB2_4:
0x72: {  	p0 =	sne.s32 s0, $0xC7C0;
	v6 =	vld [tilespmem:s26+$0x1900]  }
0x73: {  	v7 =	vld [tilespmem:s26+$0x7C90];
	[tilespmem:s22+$0xE0D0] =	vst v5;
	v2 =	vadd.f32 v3, v2  }
0x74: {  	v3 =	vld [tilespmem:s26+$0x1890]  }
0x75: {  	v5 =	vld [tilespmem:s26+$0x7CA0];
	[tilespmem:s22+$0xE0E0] =	vst v2;
	v0 =	vadd.f32 v4, v0  }
0x76: {  	v2 =	vld [tilespmem:s26+$0x18A0]  }
0x77: {  	v4 =	vld [tilespmem:s26+$0x7CB0];
	v1 =	vadd.f32 v6, v1;
	[tilespmem:s22+$0xE0F0] =	vst v0;
	s22 =	smov.u32 s26  }
0x78: {  	v0 =	vld [tilespmem:s22+$0x18B0]  }
0x79: {  	v3 =	vadd.f32 v3, v7;
	v6 =	vld [tilespmem:s22+$0x7CC0];
	[tilespmem:s22+$0xE100] =	vst v1  }
0x7a: {  	v1 =	vld [tilespmem:s22+$0x18C0]  }
0x7b: {  	[tilespmem:s22+$0xE090] =	vst v3;
	v2 =	vadd.f32 v2, v5;
	v5 =	vld [tilespmem:s22+$0x7CD0]  }
0x7c: {  	v7 =	vld [tilespmem:s22+$0x18D0]  }
.Ltmp1:
0x7d: {  	[tilespmem:s22+$0xE0A0] =	vst v2;
	v0 =	vadd.f32 v0, v4;
	v2 =	vld [tilespmem:s22+$0x7CE0];
	(pc) =	sbr.rel @p0 .LBB2_4-.Ltmp1, $4  }
0x7e: {  	v3 =	vld [tilespmem:s22+$0x18E0]  }
0x7f: {  	[tilespmem:s22+$0xE0B0] =	vst v0;
	v6 =	vadd.f32 v1, v6;
	v0 =	vld [tilespmem:s22+$0x7CF0]  }
0x80: {  	s26 =	sshra.s32 s0, $0x2;
	v4 =	vld [tilespmem:s22+$0x18F0]  }
0x81: {  	s0 =	sadd.s32 $0x200, s0;
	v1 =	vld [tilespmem:s26+$0x7D00];
	[tilespmem:s22+$0xE0C0] =	vst v6;
	v5 =	vadd.f32 v7, v5  }
0x82: {  	v6 =	vld [tilespmem:s26+$0x1900]  }
0x83: {  	v7 =	vld [tilespmem:s26+$0x7C90];
	[tilespmem:s22+$0xE0D0] =	vst v5;
	v2 =	vadd.f32 v3, v2  }
0x84: {  	v51 =	vld [tilespmem:s26+$0x1890]  }
0x85: {  	v5 =	vld [tilespmem:s26+$0x7CA0];
	[tilespmem:s22+$0xE0E0] =	vst v2;
	v0 =	vadd.f32 v4, v0  }
0x86: {  	v2 =	vld [tilespmem:s26+$0x18A0]  }
0x87: {  	v52 =	vld [tilespmem:s26+$0x7CB0];
	[tilespmem:s22+$0xE0F0] =	vst v0  }
0x88: {  	v54 =	vld [tilespmem:s26+$0x18B0]  }
0x89: {  	v55 =	vld [tilespmem:s26+$0x7CC0]  }
0x8a: {  	v56 =	vld [tilespmem:s26+$0x18C0]  }
0x8b: {  	v57 =	vld [tilespmem:s26+$0x7CD0]  }
0x8c: {  	v58 =	vld [tilespmem:s26+$0x18D0]  }
0x8d: {  	v59 =	vld [tilespmem:s26+$0x7CE0]  }
0x8e: {  	v53 =	vadd.f32 v6, v1;
	v60 =	vld [tilespmem:s26+$0x18E0]  }
0x8f: {  	v61 =	vld [tilespmem:s26+$0x7CF0];
	v3 =	vadd.f32 v51, v7  }
0x90: {  	v62 =	vld [tilespmem:s26+$0x18F0];
	[tilespmem:s26+$0xE100] =	vst v53;
	v2 =	vadd.f32 v2, v5  }
0x91: {  	[tilespmem:s26+$0xE090] =	vst v3;
	v1 =	vadd.f32 v54, v52  }
0x92: {  	[tilespmem:s26+$0xE0A0] =	vst v2;
	v0 =	vadd.f32 v56, v55  }
0x93: {  	v3 =	vadd.f32 v58, v57;
	[tilespmem:s26+$0xE0B0] =	vst v1  }
0x94: {  	v63 =	vadd.f32 v60, v59;
	[tilespmem:s26+$0xE0C0] =	vst v0  }
0x95: {  	[tilespmem:s26+$0xE0D0] =	vst v3;
	v1 =	vadd.f32 v62, v61  }
0x96: {  	[tilespmem:s26+$0xE0E0] =	vst v63  }
0x97: {  	s22 =	simm.s32 $0x0;
	[tilespmem:s26+$0xE0F0] =	vst v1  }
0x98: {  	[hbm4b:s8+s22] =	stream.linear.scatter [tilespmem:s30], [sflag:$0x4], $0x3200, $0x38;
	[tilespmem:$0x11300] =	vst v63  }
0x99: {  	s0 =	simm.s32 $0x258  }
0x9a: {  	[tilespmem:s21], [sflag:$0x2] =	stream.indirect.gather [hbm4b:s4+s16], $0x40, s0, s16, $0xb8;
	[tilespmem:$0x11300] =	vst v63  }
0x9b: {  	s31 =	simm.s32 $0x2D8  }
0x9c: {  	[tilespmem:s23], [sflag:$0x2] =	stream.indirect.gather [hbm4b:s4+s18], $0x40, s31, s18, $0xb8;
	[tilespmem:$0x11300] =	vst v63  }
.LBB2_6:
0x9d: {  	_ =	swait.ge [sflag:s24], $0x3200  }
0x9e: {  	[sflag:s24] =	ssyncset.done $0x0  }
0x9f: {  	s26 =	simm.s32 $0x70;
	[sflag:s24] =	ssyncadd.s32 $0xFFFFCE00  }
0xa0: {  	v0 =	vld [tilespmem:s26+$0x4B00]  }
0xa1: {  	v1 =	vld [tilespmem:s26+$0x1900]  }
0xa2: {  	v2 =	vld [tilespmem:s26+$0x4A90]  }
0xa3: {  	v3 =	vld [tilespmem:s26+$0x1890]  }
0xa4: {  	v4 =	vld [tilespmem:s26+$0x4AA0]  }
0xa5: {  	v5 =	vld [tilespmem:s26+$0x18A0]  }
0xa6: {  	v6 =	vld [tilespmem:s26+$0x4AB0]  }
0xa7: {  	v7 =	vld [tilespmem:s26+$0x4AC0]  }
0xa8: {  	v0 =	vadd.f32 v1, v0;
	v1 =	vld [tilespmem:s26+$0x18B0]  }
0xa9: {  	v8 =	vld [tilespmem:s26+$0x18C0]  }
0xaa: {  	v9 =	vld [tilespmem:s26+$0x18D0];
	v2 =	vadd.f32 v3, v2  }
0xab: {  	[tilespmem:s26+$0xAF00] =	vst v0;
	v0 =	vadd.f32 v5, v4;
	v5 =	vld [tilespmem:s26+$0x4AD0]  }
0xac: {  	v3 =	vld [tilespmem:s26+$0x18E0];
	[tilespmem:s26+$0xAE90] =	vst v2  }
0xad: {  	v2 =	vld [tilespmem:s26+$0x4AE0];
	[tilespmem:s26+$0xAEA0] =	vst v0;
	v0 =	vadd.f32 v1, v6  }
0xae: {  	v4 =	vld [tilespmem:s26+$0x18F0];
	v6 =	vadd.f32 v8, v7  }
0xaf: {  	s28 =	simm.s32 $0xF0;
	[tilespmem:s26+$0xAEB0] =	vst v0;
	v0 =	vld [tilespmem:s26+$0x4AF0]  }
0xb0: {  	s0 =	simm.s32 $0x5C0;
	v5 =	vadd.f32 v9, v5;
	v1 =	vld [tilespmem:s28+$0x4B00];
	[tilespmem:s26+$0xAEC0] =	vst v6  }
.LBB2_7:
0xb1: {  	p0 =	sne.s32 s0, $0xC7C0;
	v6 =	vld [tilespmem:s28+$0x1900]  }
0xb2: {  	v7 =	vld [tilespmem:s28+$0x4A90];
	[tilespmem:s26+$0xAED0] =	vst v5;
	v2 =	vadd.f32 v3, v2  }
0xb3: {  	v3 =	vld [tilespmem:s28+$0x1890]  }
0xb4: {  	v5 =	vld [tilespmem:s28+$0x4AA0];
	[tilespmem:s26+$0xAEE0] =	vst v2;
	v0 =	vadd.f32 v4, v0  }
0xb5: {  	v2 =	vld [tilespmem:s28+$0x18A0]  }
0xb6: {  	v4 =	vld [tilespmem:s28+$0x4AB0];
	v1 =	vadd.f32 v6, v1;
	[tilespmem:s26+$0xAEF0] =	vst v0;
	s26 =	smov.u32 s28  }
0xb7: {  	v0 =	vld [tilespmem:s26+$0x18B0]  }
0xb8: {  	v3 =	vadd.f32 v3, v7;
	v6 =	vld [tilespmem:s26+$0x4AC0];
	[tilespmem:s26+$0xAF00] =	vst v1  }
0xb9: {  	v1 =	vld [tilespmem:s26+$0x18C0]  }
0xba: {  	[tilespmem:s26+$0xAE90] =	vst v3;
	v2 =	vadd.f32 v2, v5;
	v5 =	vld [tilespmem:s26+$0x4AD0]  }
0xbb: {  	v7 =	vld [tilespmem:s26+$0x18D0]  }
.Ltmp2:
0xbc: {  	[tilespmem:s26+$0xAEA0] =	vst v2;
	v0 =	vadd.f32 v0, v4;
	v2 =	vld [tilespmem:s26+$0x4AE0];
	(pc) =	sbr.rel @p0 .LBB2_7-.Ltmp2, $4  }
0xbd: {  	v3 =	vld [tilespmem:s26+$0x18E0]  }
0xbe: {  	[tilespmem:s26+$0xAEB0] =	vst v0;
	v6 =	vadd.f32 v1, v6;
	v0 =	vld [tilespmem:s26+$0x4AF0]  }
0xbf: {  	s28 =	sshra.s32 s0, $0x2;
	v4 =	vld [tilespmem:s26+$0x18F0]  }
0xc0: {  	s0 =	sadd.s32 $0x200, s0;
	v1 =	vld [tilespmem:s28+$0x4B00];
	[tilespmem:s26+$0xAEC0] =	vst v6;
	v5 =	vadd.f32 v7, v5  }
0xc1: {  	v6 =	vld [tilespmem:s28+$0x1900]  }
0xc2: {  	v7 =	vld [tilespmem:s28+$0x4A90];
	[tilespmem:s26+$0xAED0] =	vst v5;
	v2 =	vadd.f32 v3, v2  }
0xc3: {  	v3 =	vld [tilespmem:s28+$0x1890]  }
0xc4: {  	v5 =	vld [tilespmem:s28+$0x4AA0];
	[tilespmem:s26+$0xAEE0] =	vst v2;
	v0 =	vadd.f32 v4, v0  }
0xc5: {  	v2 =	vld [tilespmem:s28+$0x18A0]  }
0xc6: {  	v4 =	vld [tilespmem:s28+$0x4AB0];
	[tilespmem:s26+$0xAEF0] =	vst v0  }
0xc7: {  	v0 =	vadd.f32 v6, v1;
	v1 =	vld [tilespmem:s28+$0x18B0]  }
0xc8: {  	v6 =	vld [tilespmem:s28+$0x4AC0]  }
0xc9: {  	v3 =	vadd.f32 v3, v7;
	[tilespmem:s28+$0xAF00] =	vst v0;
	v0 =	vld [tilespmem:s28+$0x18C0]  }
0xca: {  	v7 =	vld [tilespmem:s28+$0x18F0]  }
0xcb: {  	[tilespmem:s28+$0xAE90] =	vst v3;
	v2 =	vadd.f32 v2, v5;
	v3 =	vld [tilespmem:s28+$0x4AD0]  }
0xcc: {  	v5 =	vld [tilespmem:s28+$0x18D0]  }
0xcd: {  	[tilespmem:s28+$0xAEA0] =	vst v2;
	v1 =	vadd.f32 v1, v4;
	v2 =	vld [tilespmem:s28+$0x4AE0]  }
0xce: {  	v4 =	vld [tilespmem:s28+$0x18E0]  }
0xcf: {  	[tilespmem:s28+$0xAEB0] =	vst v1;
	v1 =	vld [tilespmem:s28+$0x4AF0];
	_ =	sdelay $0x1  }
0xd0: {  	v0 =	vadd.f32 v0, v6  }
0xd1: {  	v3 =	vadd.f32 v5, v3  }
0xd2: {  	[tilespmem:s28+$0xAEC0] =	vst v0;
	v0 =	vadd.f32 v4, v2  }
0xd3: {  	[tilespmem:s28+$0xAED0] =	vst v3;
	v1 =	vadd.f32 v7, v1  }
0xd4: {  	s26 =	sshll.u32 s22, $0x1;
	[tilespmem:s28+$0xAEE0] =	vst v0  }
0xd5: {  	s5 =	smul.u32 $0x640, s22;
	s0 =	sadd.s32 s26, s9;
	[tilespmem:s28+$0xAEF0] =	vst v1  }
0xd6: {  	s0 =	smul.u32 $0x640, s0;
	_ =	swait.ge [sflag:s1], $0x3200  }
0xd7: {  	[sflag:s1] =	ssyncset.done $0x0  }
0xd8: {  	s0 =	sadd.s32 s2, s0;
	s28 =	sshra.s32 s5, $0x2;
	[sflag:s1] =	ssyncadd.s32 $0xFFFFCE00  }
0xd9: {  	[hbm4b:s0+s3] =	stream.linear.scatter [tilespmem:s25], [sflag:$0x3], $0x3200, $0x38;
	[tilespmem:$0x11300] =	vst v63  }
0xda: {  	s5 =	sadd.s32 $0x320, s28  }
0xdb: {  	[tilespmem:s17], [sflag:$0x1] =	stream.indirect.gather [hbm4b:s4+s16], $0x40, s5, s16, $0xb8;
	[tilespmem:$0x11300] =	vst v63  }
0xdc: {  	s5 =	sadd.s32 $0x3A0, s28  }
0xdd: {  	[tilespmem:s19], [sflag:$0x1] =	stream.indirect.gather [hbm4b:s4+s18], $0x40, s5, s18, $0xb8;
	[tilespmem:$0x11300] =	vst v63  }
0xde: {  	_ =	swait.ge [sflag:s29], $0x3200  }
0xdf: {  	[sflag:s29] =	ssyncset.done $0x0  }
0xe0: {  	s31 =	simm.s32 $0x70;
	[sflag:s29] =	ssyncadd.s32 $0xFFFFCE00  }
0xe1: {  	v0 =	vld [tilespmem:s31+$0x7D00]  }
0xe2: {  	v1 =	vld [tilespmem:s31+$0x1900]  }
0xe3: {  	v2 =	vld [tilespmem:s31+$0x7C90]  }
0xe4: {  	v3 =	vld [tilespmem:s31+$0x1890]  }
0xe5: {  	v4 =	vld [tilespmem:s31+$0x7CA0]  }
0xe6: {  	v5 =	vld [tilespmem:s31+$0x18A0]  }
0xe7: {  	v6 =	vld [tilespmem:s31+$0x7CB0]  }
0xe8: {  	v7 =	vld [tilespmem:s31+$0x7CC0]  }
0xe9: {  	v0 =	vadd.f32 v1, v0;
	v1 =	vld [tilespmem:s31+$0x18B0]  }
0xea: {  	v8 =	vld [tilespmem:s31+$0x18C0]  }
0xeb: {  	v9 =	vld [tilespmem:s31+$0x18D0];
	v2 =	vadd.f32 v3, v2  }
0xec: {  	[tilespmem:s31+$0xE100] =	vst v0;
	v0 =	vadd.f32 v5, v4;
	v5 =	vld [tilespmem:s31+$0x7CD0]  }
0xed: {  	v3 =	vld [tilespmem:s31+$0x18E0];
	[tilespmem:s31+$0xE090] =	vst v2  }
0xee: {  	v2 =	vld [tilespmem:s31+$0x7CE0];
	[tilespmem:s31+$0xE0A0] =	vst v0;
	v0 =	vadd.f32 v1, v6  }
0xef: {  	v4 =	vld [tilespmem:s31+$0x18F0];
	v6 =	vadd.f32 v8, v7  }
0xf0: {  	s0 =	simm.s32 $0xF0;
	[tilespmem:s31+$0xE0B0] =	vst v0;
	v0 =	vld [tilespmem:s31+$0x7CF0]  }
0xf1: {  	s5 =	simm.s32 $0x5C0;
	v5 =	vadd.f32 v9, v5;
	v1 =	vld [tilespmem:s0+$0x7D00];
	[tilespmem:s31+$0xE0C0] =	vst v6  }
.LBB2_9:
0xf2: {  	p0 =	sne.s32 s5, $0xC7C0;
	v6 =	vld [tilespmem:s0+$0x1900]  }
0xf3: {  	v7 =	vld [tilespmem:s0+$0x7C90];
	[tilespmem:s31+$0xE0D0] =	vst v5;
	v2 =	vadd.f32 v3, v2  }
0xf4: {  	v3 =	vld [tilespmem:s0+$0x1890]  }
0xf5: {  	v5 =	vld [tilespmem:s0+$0x7CA0];
	[tilespmem:s31+$0xE0E0] =	vst v2;
	v0 =	vadd.f32 v4, v0  }
0xf6: {  	v2 =	vld [tilespmem:s0+$0x18A0]  }
0xf7: {  	v4 =	vld [tilespmem:s0+$0x7CB0];
	v1 =	vadd.f32 v6, v1;
	[tilespmem:s31+$0xE0F0] =	vst v0;
	s31 =	smov.u32 s0  }
0xf8: {  	v0 =	vld [tilespmem:s31+$0x18B0]  }
0xf9: {  	v3 =	vadd.f32 v3, v7;
	v6 =	vld [tilespmem:s31+$0x7CC0];
	[tilespmem:s31+$0xE100] =	vst v1  }
0xfa: {  	v1 =	vld [tilespmem:s31+$0x18C0]  }
0xfb: {  	[tilespmem:s31+$0xE090] =	vst v3;
	v2 =	vadd.f32 v2, v5;
	v5 =	vld [tilespmem:s31+$0x7CD0]  }
0xfc: {  	v7 =	vld [tilespmem:s31+$0x18D0]  }
.Ltmp3:
0xfd: {  	[tilespmem:s31+$0xE0A0] =	vst v2;
	v0 =	vadd.f32 v0, v4;
	v2 =	vld [tilespmem:s31+$0x7CE0];
	(pc) =	sbr.rel @p0 .LBB2_9-.Ltmp3, $4  }
0xfe: {  	v3 =	vld [tilespmem:s31+$0x18E0]  }
0xff: {  	[tilespmem:s31+$0xE0B0] =	vst v0;
	v6 =	vadd.f32 v1, v6;
	v0 =	vld [tilespmem:s31+$0x7CF0]  }
0x100: {  	s0 =	sshra.s32 s5, $0x2;
	v4 =	vld [tilespmem:s31+$0x18F0]  }
0x101: {  	s5 =	sadd.s32 $0x200, s5;
	v1 =	vld [tilespmem:s0+$0x7D00];
	[tilespmem:s31+$0xE0C0] =	vst v6;
	v5 =	vadd.f32 v7, v5  }
0x102: {  	v6 =	vld [tilespmem:s0+$0x1900]  }
0x103: {  	v7 =	vld [tilespmem:s0+$0x7C90];
	[tilespmem:s31+$0xE0D0] =	vst v5;
	v2 =	vadd.f32 v3, v2  }
0x104: {  	v51 =	vld [tilespmem:s0+$0x1890]  }
0x105: {  	v5 =	vld [tilespmem:s0+$0x7CA0];
	[tilespmem:s31+$0xE0E0] =	vst v2;
	v0 =	vadd.f32 v4, v0  }
0x106: {  	v2 =	vld [tilespmem:s0+$0x18A0]  }
0x107: {  	v52 =	vld [tilespmem:s0+$0x7CB0];
	[tilespmem:s31+$0xE0F0] =	vst v0  }
0x108: {  	v54 =	vld [tilespmem:s0+$0x18B0]  }
0x109: {  	v55 =	vld [tilespmem:s0+$0x7CC0]  }
0x10a: {  	v56 =	vld [tilespmem:s0+$0x18C0]  }
0x10b: {  	v57 =	vld [tilespmem:s0+$0x7CD0]  }
0x10c: {  	v58 =	vld [tilespmem:s0+$0x18D0]  }
0x10d: {  	v59 =	vld [tilespmem:s0+$0x7CE0]  }
0x10e: {  	v53 =	vadd.f32 v6, v1;
	v60 =	vld [tilespmem:s0+$0x18E0]  }
0x10f: {  	v61 =	vld [tilespmem:s0+$0x7CF0];
	v3 =	vadd.f32 v51, v7  }
0x110: {  	v62 =	vld [tilespmem:s0+$0x18F0];
	[tilespmem:s0+$0xE100] =	vst v53;
	v2 =	vadd.f32 v2, v5  }
0x111: {  	[tilespmem:s0+$0xE090] =	vst v3;
	v1 =	vadd.f32 v54, v52  }
0x112: {  	[tilespmem:s0+$0xE0A0] =	vst v2;
	v0 =	vadd.f32 v56, v55  }
0x113: {  	v3 =	vadd.f32 v58, v57;
	[tilespmem:s0+$0xE0B0] =	vst v1  }
0x114: {  	v63 =	vadd.f32 v60, v59;
	[tilespmem:s0+$0xE0C0] =	vst v0  }
0x115: {  	[tilespmem:s0+$0xE0D0] =	vst v3;
	v1 =	vadd.f32 v62, v61  }
0x116: {  	[tilespmem:s0+$0xE0E0] =	vst v63  }
0x117: {  	s5 =	sadd.s32 s26, s10;
	[tilespmem:s0+$0xE0F0] =	vst v1  }
0x118: {  	s0 =	smul.u32 $0x640, s5;
	_ =	swait.ge [sflag:s15], $0x3200  }
0x119: {  	s22 =	sadd.s32 $0x1, s22;
	[sflag:s15] =	ssyncset.done $0x0  }
0x11a: {  	p0 =	sne.s32 s22, $0xE;
	s0 =	sadd.s32 s2, s0;
	[sflag:s15] =	ssyncadd.s32 $0xFFFFCE00  }
0x11b: {  	[hbm4b:s0+s3] =	stream.linear.scatter [tilespmem:s30], [sflag:$0x4], $0x3200, $0x38;
	[tilespmem:$0x11300] =	vst v63  }
.Ltmp4:
0x11c: {  	_ = 	snop;
	(pc) =	sbr.rel @p0 .LBB2_6-.Ltmp4, $4  }
0x11d: {  	s26 =	sadd.s32 $0x3E8, s28  }
0x11e: {  	[tilespmem:s21], [sflag:$0x2] =	stream.indirect.gather [hbm4b:s4+s16], $0x40, s26, s16, $0xb8;
	[tilespmem:$0x11300] =	vst v63  }
0x11f: {  	s31 =	sadd.s32 $0x468, s28  }
0x120: {  	[tilespmem:s23], [sflag:$0x2] =	stream.indirect.gather [hbm4b:s4+s18], $0x40, s31, s18, $0xb8;
	[tilespmem:$0x11300] =	vst v63  }
0x121: {  	_ =	swait.ge [sflag:s24], $0x3200  }
0x122: {  	[sflag:s24] =	ssyncset.done $0x0  }
0x123: {  	s22 =	simm.s32 $0x70;
	[sflag:s24] =	ssyncadd.s32 $0xFFFFCE00  }
0x124: {  	v0 =	vld [tilespmem:s22+$0x4B00]  }
0x125: {  	v1 =	vld [tilespmem:s22+$0x1900]  }
0x126: {  	v2 =	vld [tilespmem:s22+$0x4A90]  }
0x127: {  	v3 =	vld [tilespmem:s22+$0x1890]  }
0x128: {  	v4 =	vld [tilespmem:s22+$0x4AA0]  }
0x129: {  	v5 =	vld [tilespmem:s22+$0x18A0]  }
0x12a: {  	v6 =	vld [tilespmem:s22+$0x4AB0]  }
0x12b: {  	v7 =	vld [tilespmem:s22+$0x4AC0]  }
0x12c: {  	v0 =	vadd.f32 v1, v0;
	v1 =	vld [tilespmem:s22+$0x18B0]  }
0x12d: {  	v8 =	vld [tilespmem:s22+$0x18C0]  }
0x12e: {  	v9 =	vld [tilespmem:s22+$0x18D0];
	v2 =	vadd.f32 v3, v2  }
0x12f: {  	[tilespmem:s22+$0xAF00] =	vst v0;
	v0 =	vadd.f32 v5, v4;
	v5 =	vld [tilespmem:s22+$0x4AD0]  }
0x130: {  	v3 =	vld [tilespmem:s22+$0x18E0];
	[tilespmem:s22+$0xAE90] =	vst v2  }
0x131: {  	v2 =	vld [tilespmem:s22+$0x4AE0];
	[tilespmem:s22+$0xAEA0] =	vst v0;
	v0 =	vadd.f32 v1, v6  }
0x132: {  	v4 =	vld [tilespmem:s22+$0x18F0];
	v6 =	vadd.f32 v8, v7  }
0x133: {  	s0 =	simm.s32 $0xF0;
	[tilespmem:s22+$0xAEB0] =	vst v0;
	v0 =	vld [tilespmem:s22+$0x4AF0]  }
0x134: {  	s5 =	simm.s32 $0x5C0;
	v5 =	vadd.f32 v9, v5;
	v1 =	vld [tilespmem:s0+$0x4B00];
	[tilespmem:s22+$0xAEC0] =	vst v6  }
.LBB2_12:
0x135: {  	p0 =	sne.s32 s5, $0xC7C0;
	v6 =	vld [tilespmem:s0+$0x1900]  }
0x136: {  	v7 =	vld [tilespmem:s0+$0x4A90];
	[tilespmem:s22+$0xAED0] =	vst v5;
	v2 =	vadd.f32 v3, v2  }
0x137: {  	v3 =	vld [tilespmem:s0+$0x1890]  }
0x138: {  	v5 =	vld [tilespmem:s0+$0x4AA0];
	[tilespmem:s22+$0xAEE0] =	vst v2;
	v0 =	vadd.f32 v4, v0  }
0x139: {  	v2 =	vld [tilespmem:s0+$0x18A0]  }
0x13a: {  	v4 =	vld [tilespmem:s0+$0x4AB0];
	v1 =	vadd.f32 v6, v1;
	[tilespmem:s22+$0xAEF0] =	vst v0;
	s22 =	smov.u32 s0  }
0x13b: {  	v0 =	vld [tilespmem:s22+$0x18B0]  }
0x13c: {  	v3 =	vadd.f32 v3, v7;
	v6 =	vld [tilespmem:s22+$0x4AC0];
	[tilespmem:s22+$0xAF00] =	vst v1  }
0x13d: {  	v1 =	vld [tilespmem:s22+$0x18C0]  }
0x13e: {  	[tilespmem:s22+$0xAE90] =	vst v3;
	v2 =	vadd.f32 v2, v5;
	v5 =	vld [tilespmem:s22+$0x4AD0]  }
0x13f: {  	v7 =	vld [tilespmem:s22+$0x18D0]  }
.Ltmp5:
0x140: {  	[tilespmem:s22+$0xAEA0] =	vst v2;
	v0 =	vadd.f32 v0, v4;
	v2 =	vld [tilespmem:s22+$0x4AE0];
	(pc) =	sbr.rel @p0 .LBB2_12-.Ltmp5, $4  }
0x141: {  	v3 =	vld [tilespmem:s22+$0x18E0]  }
0x142: {  	[tilespmem:s22+$0xAEB0] =	vst v0;
	v6 =	vadd.f32 v1, v6;
	v0 =	vld [tilespmem:s22+$0x4AF0]  }
0x143: {  	s0 =	sshra.s32 s5, $0x2;
	v4 =	vld [tilespmem:s22+$0x18F0]  }
0x144: {  	s5 =	sadd.s32 $0x200, s5;
	v1 =	vld [tilespmem:s0+$0x4B00];
	[tilespmem:s22+$0xAEC0] =	vst v6;
	v5 =	vadd.f32 v7, v5  }
0x145: {  	v6 =	vld [tilespmem:s0+$0x1900]  }
0x146: {  	v7 =	vld [tilespmem:s0+$0x4A90];
	[tilespmem:s22+$0xAED0] =	vst v5;
	v2 =	vadd.f32 v3, v2  }
0x147: {  	v3 =	vld [tilespmem:s0+$0x1890]  }
0x148: {  	v5 =	vld [tilespmem:s0+$0x4AA0];
	[tilespmem:s22+$0xAEE0] =	vst v2;
	v0 =	vadd.f32 v4, v0  }
0x149: {  	v2 =	vld [tilespmem:s0+$0x18A0]  }
0x14a: {  	v4 =	vld [tilespmem:s0+$0x4AB0];
	[tilespmem:s22+$0xAEF0] =	vst v0  }
0x14b: {  	v0 =	vadd.f32 v6, v1;
	v1 =	vld [tilespmem:s0+$0x18B0]  }
0x14c: {  	v6 =	vld [tilespmem:s0+$0x4AC0]  }
0x14d: {  	v3 =	vadd.f32 v3, v7;
	[tilespmem:s0+$0xAF00] =	vst v0;
	v0 =	vld [tilespmem:s0+$0x18C0]  }
0x14e: {  	v7 =	vld [tilespmem:s0+$0x18F0]  }
0x14f: {  	[tilespmem:s0+$0xAE90] =	vst v3;
	v2 =	vadd.f32 v2, v5;
	v3 =	vld [tilespmem:s0+$0x4AD0]  }
0x150: {  	v5 =	vld [tilespmem:s0+$0x18D0]  }
0x151: {  	[tilespmem:s0+$0xAEA0] =	vst v2;
	v1 =	vadd.f32 v1, v4;
	v2 =	vld [tilespmem:s0+$0x4AE0]  }
0x152: {  	v4 =	vld [tilespmem:s0+$0x18E0]  }
0x153: {  	[tilespmem:s0+$0xAEB0] =	vst v1;
	v1 =	vld [tilespmem:s0+$0x4AF0];
	_ =	sdelay $0x1  }
0x154: {  	v0 =	vadd.f32 v0, v6  }
0x155: {  	v3 =	vadd.f32 v5, v3  }
0x156: {  	[tilespmem:s0+$0xAEC0] =	vst v0;
	v0 =	vadd.f32 v4, v2  }
0x157: {  	[tilespmem:s0+$0xAED0] =	vst v3;
	v1 =	vadd.f32 v7, v1  }
0x158: {  	[tilespmem:s0+$0xAEE0] =	vst v0  }
0x159: {  	[tilespmem:s0+$0xAEF0] =	vst v1  }
0x15a: {  	_ =	swait.ge [sflag:s1], $0x3200  }
0x15b: {  	[sflag:s1] =	ssyncset.done $0x0  }
0x15c: {  	[sflag:s1] =	ssyncadd.s32 $0xFFFFCE00  }
0x15d: {  	[hbm4b:s11+s3] =	stream.linear.scatter [tilespmem:s25], [sflag:$0x3], $0x3200, $0x38;
	[tilespmem:$0x11300] =	vst v63  }
0x15e: {  	_ =	swait.ge [sflag:s29], $0x3200  }
0x15f: {  	[sflag:s29] =	ssyncset.done $0x0  }
0x160: {  	s22 =	simm.s32 $0x70;
	[sflag:s29] =	ssyncadd.s32 $0xFFFFCE00  }
0x161: {  	v0 =	vld [tilespmem:s22+$0x7D00]  }
0x162: {  	v1 =	vld [tilespmem:s22+$0x1900]  }
0x163: {  	v2 =	vld [tilespmem:s22+$0x7C90]  }
0x164: {  	v3 =	vld [tilespmem:s22+$0x1890]  }
0x165: {  	v4 =	vld [tilespmem:s22+$0x7CA0]  }
0x166: {  	v5 =	vld [tilespmem:s22+$0x18A0]  }
0x167: {  	v6 =	vld [tilespmem:s22+$0x7CB0]  }
0x168: {  	v7 =	vld [tilespmem:s22+$0x7CC0]  }
0x169: {  	v0 =	vadd.f32 v1, v0;
	v1 =	vld [tilespmem:s22+$0x18B0]  }
0x16a: {  	v8 =	vld [tilespmem:s22+$0x18C0]  }
0x16b: {  	v9 =	vld [tilespmem:s22+$0x18D0];
	v2 =	vadd.f32 v3, v2  }
0x16c: {  	[tilespmem:s22+$0xE100] =	vst v0;
	v0 =	vadd.f32 v5, v4;
	v5 =	vld [tilespmem:s22+$0x7CD0]  }
0x16d: {  	v3 =	vld [tilespmem:s22+$0x18E0];
	[tilespmem:s22+$0xE090] =	vst v2  }
0x16e: {  	v2 =	vld [tilespmem:s22+$0x7CE0];
	[tilespmem:s22+$0xE0A0] =	vst v0;
	v0 =	vadd.f32 v1, v6  }
0x16f: {  	v4 =	vld [tilespmem:s22+$0x18F0];
	v6 =	vadd.f32 v8, v7  }
0x170: {  	s0 =	simm.s32 $0xF0;
	[tilespmem:s22+$0xE0B0] =	vst v0;
	v0 =	vld [tilespmem:s22+$0x7CF0]  }
0x171: {  	s5 =	simm.s32 $0x5C0;
	v5 =	vadd.f32 v9, v5;
	v1 =	vld [tilespmem:s0+$0x7D00];
	[tilespmem:s22+$0xE0C0] =	vst v6  }
.LBB2_14:
0x172: {  	p0 =	sne.s32 s5, $0xC7C0;
	v6 =	vld [tilespmem:s0+$0x1900]  }
0x173: {  	v7 =	vld [tilespmem:s0+$0x7C90];
	[tilespmem:s22+$0xE0D0] =	vst v5;
	v2 =	vadd.f32 v3, v2  }
0x174: {  	v3 =	vld [tilespmem:s0+$0x1890]  }
0x175: {  	v5 =	vld [tilespmem:s0+$0x7CA0];
	[tilespmem:s22+$0xE0E0] =	vst v2;
	v0 =	vadd.f32 v4, v0  }
0x176: {  	v2 =	vld [tilespmem:s0+$0x18A0]  }
0x177: {  	v4 =	vld [tilespmem:s0+$0x7CB0];
	v1 =	vadd.f32 v6, v1;
	[tilespmem:s22+$0xE0F0] =	vst v0;
	s22 =	smov.u32 s0  }
0x178: {  	v0 =	vld [tilespmem:s22+$0x18B0]  }
0x179: {  	v3 =	vadd.f32 v3, v7;
	v6 =	vld [tilespmem:s22+$0x7CC0];
	[tilespmem:s22+$0xE100] =	vst v1  }
0x17a: {  	v1 =	vld [tilespmem:s22+$0x18C0]  }
0x17b: {  	[tilespmem:s22+$0xE090] =	vst v3;
	v2 =	vadd.f32 v2, v5;
	v5 =	vld [tilespmem:s22+$0x7CD0]  }
0x17c: {  	v7 =	vld [tilespmem:s22+$0x18D0]  }
.Ltmp6:
0x17d: {  	[tilespmem:s22+$0xE0A0] =	vst v2;
	v0 =	vadd.f32 v0, v4;
	v2 =	vld [tilespmem:s22+$0x7CE0];
	(pc) =	sbr.rel @p0 .LBB2_14-.Ltmp6, $4  }
0x17e: {  	v3 =	vld [tilespmem:s22+$0x18E0]  }
0x17f: {  	[tilespmem:s22+$0xE0B0] =	vst v0;
	v6 =	vadd.f32 v1, v6;
	v0 =	vld [tilespmem:s22+$0x7CF0]  }
0x180: {  	s0 =	sshra.s32 s5, $0x2;
	v4 =	vld [tilespmem:s22+$0x18F0]  }
0x181: {  	s5 =	sadd.s32 $0x200, s5;
	v1 =	vld [tilespmem:s0+$0x7D00];
	[tilespmem:s22+$0xE0C0] =	vst v6;
	v5 =	vadd.f32 v7, v5  }
0x182: {  	v6 =	vld [tilespmem:s0+$0x1900]  }
0x183: {  	v7 =	vld [tilespmem:s0+$0x7C90];
	[tilespmem:s22+$0xE0D0] =	vst v5;
	v2 =	vadd.f32 v3, v2  }
0x184: {  	v51 =	vld [tilespmem:s0+$0x1890]  }
0x185: {  	v5 =	vld [tilespmem:s0+$0x7CA0];
	[tilespmem:s22+$0xE0E0] =	vst v2;
	v0 =	vadd.f32 v4, v0  }
0x186: {  	v2 =	vld [tilespmem:s0+$0x18A0]  }
0x187: {  	v52 =	vld [tilespmem:s0+$0x7CB0];
	[tilespmem:s22+$0xE0F0] =	vst v0  }
0x188: {  	v54 =	vld [tilespmem:s0+$0x18B0]  }
0x189: {  	v55 =	vld [tilespmem:s0+$0x7CC0]  }
0x18a: {  	v56 =	vld [tilespmem:s0+$0x18C0]  }
0x18b: {  	v57 =	vld [tilespmem:s0+$0x7CD0]  }
0x18c: {  	v58 =	vld [tilespmem:s0+$0x18D0]  }
0x18d: {  	v59 =	vld [tilespmem:s0+$0x7CE0]  }
0x18e: {  	v53 =	vadd.f32 v6, v1;
	v60 =	vld [tilespmem:s0+$0x18E0]  }
0x18f: {  	v61 =	vld [tilespmem:s0+$0x7CF0];
	v3 =	vadd.f32 v51, v7  }
0x190: {  	v62 =	vld [tilespmem:s0+$0x18F0];
	[tilespmem:s0+$0xE100] =	vst v53;
	v2 =	vadd.f32 v2, v5  }
0x191: {  	[tilespmem:s0+$0xE090] =	vst v3;
	v1 =	vadd.f32 v54, v52  }
0x192: {  	[tilespmem:s0+$0xE0A0] =	vst v2;
	v0 =	vadd.f32 v56, v55  }
0x193: {  	v3 =	vadd.f32 v58, v57;
	[tilespmem:s0+$0xE0B0] =	vst v1  }
0x194: {  	v63 =	vadd.f32 v60, v59;
	[tilespmem:s0+$0xE0C0] =	vst v0  }
0x195: {  	[tilespmem:s0+$0xE0D0] =	vst v3;
	v1 =	vadd.f32 v62, v61  }
0x196: {  	[tilespmem:s0+$0xE0E0] =	vst v63  }
0x197: {  	[tilespmem:s0+$0xE0F0] =	vst v1  }
0x198: {  	_ =	swait.ge [sflag:s15], $0x3200  }
0x199: {  	[sflag:s15] =	ssyncset.done $0x0  }
0x19a: {  	s20 =	sadd.s32 $0x1, s20;
	[sflag:s15] =	ssyncadd.s32 $0xFFFFCE00  }
0x19b: {  	[hbm4b:s12+s3] =	stream.linear.scatter [tilespmem:s30], [sflag:$0x4], $0x3200, $0x38;
	[tilespmem:$0x11300] =	vst v63  }
0x19c: {  	p0 =	sne.s32 s20, s13;
	_ =	swait.ge [sflag:s1], $0x3200  }
.Ltmp7:
0x19d: {  	[sflag:s1] =	ssyncset.done $0x0;
	(pc) =	sbr.rel @p0 .LBB2_1-.Ltmp7, $4  }
0x19e: {  	[sflag:s1] =	ssyncadd.s32 $0xFFFFCE00  }
0x19f: {  	_ =	swait.ge [sflag:s15], $0x3200  }
0x1a0: {  	[sflag:s15] =	ssyncset.done $0x0  }
0x1a1: {  	[sflag:s15] =	ssyncadd.s32 $0xFFFFCE00  }
0x1a2: {  	_ =	sfence.sel $0x180000  }
0x1a3: {  	[bflag:$0x0] =	sbarrier.arrive $0xFFFF  }
0x1a4: {  	_ =	strace $0x90000047  }
0x1a5: {  	s0 =	stileid.u32;
	[bflag:$0x2] =	sbarrier.arrive $0xFFFF  }
0x1a6: {  	p0 =	sne.s32 s0, $0x0;
	s0 =	rddreg [dreg:$0x2]  }
0x1a7: {  	s0 =	sadd.s32 @!p0 $0x100000, s0  }
0x1a8: {  	[sflag:s0] =	ssyncadd.tile.s32 @!p0 $0x1;
	_ =	shalt  }
.Lfunc_end2:
_tile_overlayer_lowered:
.L_overlay_start_2:
0x1a9: {  	(tag) =	ssettag $0x2  }
0x1aa: {  	s0 =	rddreg [dreg:$0x0];
	s2 =	stileid.u32  }
0x1ab: {  	s1 =	rddreg [dreg:$0x1];
	p0 =	sne.s32 s2, $0x0  }
0x1ac: {  	s3 =	rddreg [dreg:$0x2];
	[bflag:$0x3] =	sbarrier.arrive $0xFFFF;
	s2 =	simm.s32 @!p0 $0x1C05  }
0x1ad: {  	[timem:s3], [sflag:s2] =	dma.local @!p0 [hbm:s0], s1  }
0x1ae: {  	s0 =	simm.s32 @!p0 $0x5  }
0x1af: {  	_ =	swait.ge @!p0 [sflag:s0], s1  }
0x1b0: {  	s1 =	ssub.s32 @!p0 $0x0, s1;
	[sflag:s0] =	ssyncset.done @!p0 $0x0  }
0x1b1: {  	[sflag:s0] =	ssyncadd.s32 @!p0 s1  }
0x1b2: {  	[bflag:$0x3] =	sbarrier.arrive $0xFFFF  }
0x1b3: {  	_ =	shalt  }

// kernel: sparse-core-data-format-call.cloned.1.call-start
scs
called_computation_lowered:
.L_overlay_start_0:
0x0: {  	s2 =	sld [smem:$0x3FD9]  }
0x1: {  	s3 =	sld [smem:$0x3FFE];
	_ =	sdelay $0x1  }
0x2: {  	s1 =	srdreg.scid  }
0x3: {  	s0 =	sand.u32 $0x1, s1  }
0x4: {  	s18 =	sshll.u32 s0, $0xA;
	s2 =	sadd.s32 s3, s2  }
0x5: {  	s2 =	sadd.s32 s2, s18  }
0x6: {  	[smem:$0x3FC5] =	sst s2  }
0x7: {  	_ = 	snop  }
0x8: {  	s2 =	sld [smem:$0x3FD0];
	(tm) =	ssettm $0x1  }
0x9: {  	s19 =	sld [smem:$0x3FFB];
	_ =	sdelay $0x3  }
0xa: {  	_ =	strace s19  }
0xb: {  	s3 =	sld [smem:$0x3FFC];
	_ =	sdelay $0x3  }
0xc: {  	_ =	strace s3  }
0xd: {  	s3 =	sld [smem:$0x3FFD];
	_ =	sdelay $0x3  }
0xe: {  	_ =	strace s3  }
0xf: {  	_ =	strace $0x8FFFFFFF  }
0x10: {  	s20 =	sld [smem:$0x3FDB];
	_ =	sdelay $0x1  }
0x11: {  	s4 =	simm.s32 $_scs_section_size  }
0x12: {  	s5 =	simm.s32 $_size__tile_overlayer_lowered;
	s6 =	simm.s32 $_tile_overlayer_lowered  }
0x13: {  	s23 =	simm.s32 $0x1BFF;
	s22 =	sshll.u32 s6, $0x1;
	s3 =	sadd.s32 s4, s20  }
0x14: {  	s7 =	simm.s32 $0x0;
	s21 =	sshll.u32 s5, $0x1;
	s5 =	sadd.s32 s22, s3  }
0x15: {  	[timem:s7], [sflag:s23] =	dma.local [hbm:s5], s21  }
0x16: {  	_ =	swait.ge [sflag:s23], s21  }
0x17: {  	s4 =	ssub.s32 $0x0, s21;
	[sflag:s23] =	ssyncset.done $0x0  }
0x18: {  	[sflag:s23] =	ssyncadd.s32 s4;
	_ =	sdelay $0x1  }
0x19: {  	s24 =	simm.s32 $0x1B8B  }
0x1a: {  	_ =	swait.ge [sflag:s24], $0x1  }
0x1b: {  	[sflag:s24] =	ssyncset.done $0x0  }
0x1c: {  	s26 =	simm.s32 $0x1B8E;
	s25 =	sld [smem:$0x3FFE];
	[sflag:s24] =	ssyncadd.s32 $0xFFFFFFFF  }
0x1d: {  	s27 =	simm.s32 $execute0_lowered;
	[smem:$0x3FD2] =	sst s26  }
0x1e: {  	s5 =	sshll.u32 s27, $0x1;
	_ =	strace $0x80000049;
	[dreg:$0x1] =	wrdreg $0xFFFFFFFF  }
0x1f: {  	s28 =	simm.s32 $_size_execute0_lowered;
	s3 =	sadd.s32 s3, s5;
	[dreg:$0x0] =	wrdreg $0x0  }
0x20: {  	s5 =	sshll.u32 s28, $0x1;
	[dreg:$0x2] =	wrdreg s3  }
0x21: {  	[dreg:$0x3] =	wrdreg s5  }
0x22: {  	[dreg:$0x4] =	wrdreg $0xC0  }
0x23: {  	_ =	task [dreg:s7], $0x5FFFF  }
0x24: {  	[dreg:$0x1] =	wrdreg $0xFFFFFFFF  }
0x25: {  	[dreg:$0x0] =	wrdreg $0x60  }
0x26: {  	[dreg:$0x2] =	wrdreg s25  }
0x27: {  	[dreg:$0x3] =	wrdreg s2  }
0x28: {  	[dreg:$0x4] =	wrdreg $0x9  }
0x29: {  	_ =	task.clear_ibuf [dreg:s7], $0x5FFFF;
	_ =	strace $0x90000049  }
0x2a: {  	s29 =	simm.s32 $0x9;
	_ =	strace $0x8000004B  }
0x2b: {  	_ =	swait.ge [sflag:s29], $0x1  }
0x2c: {  	[sflag:s29] =	ssyncadd.s32 $0xFFFFFFFF  }
0x2d: {  	_ =	strace $0x9000004B  }
0x2e: {  	_ =	sfence  }
0x2f: {  	s30 =	sld [smem:$0x0];
	_ =	sdelay $0x2  }
0x30: {  	s31 =	sshll.u32 s1, $0xD;
	s1 =	sshrl.u32 s1, $0x2  }
0x31: {  	s3 =	sand.u32 $0x4000, s31;
	s1 =	sadd.s32 s1, s30  }
0x32: {  	s0 =	sor.u32 s3, s0;
	s1 =	sshll.u32 s1, $0x11  }
0x33: {  	s0 =	sor.u32 s1, s0  }
0x34: {  	s0 =	sadd.s32 $0x8F2B, s0  }
0x35: {  	[sflag:s0] =	ssyncadd.remote.s32 $0x1  }
0x36: {  	_ =	sfence.sel $0xFFFF  }
0x37: {  	[dreg:$0x0] =	wrdreg $0xFFFFFFFF;
	(pc) =	sbr.abs _section_cstart, $3  }
0x38: {  	[dreg:$0x1] =	wrdreg $0xFFFFFFFF  }
0x39: {  	_ =	task.clear_ibuf [dreg:s7], $0x2FFFF;
	_ =	strace $0x9FFFFFFF  }
0x3a: {  	(tm) =	ssettm $0x7FFFFFFF  }
0x3b: {  	_ =	shalt  }
tec
execute0_lowered:
.L_overlay_start_1:
0x0: {  	(tag) =	ssettag $0x1  }
0x1: {  	s0 =	stileid.u32;
	s6 =	rddreg [dreg:$0x0]  }
0x2: {  	s2 =	rddreg [dreg:$0x1];
	s5 =	srdreg.scid  }
0x3: {  	s31 =	simm.s32 $0x2;
	s13 =	simm.s32 $0x0;
	s1 =	sshll.u32 s0, $0x7  }
0x4: {  	s14 =	simm.s32 $0x0;
	s12 =	simm.s32 $0x0;
	s3 =	sand.u32 $0x380, s1  }
0x5: {  	s5 =	sshll.u32 s5, $0x4;
	s6 =	sadd.s32 $0xC00, s6;
	s4 =	ssub.s32 $0x400, s3  }
0x6: {  	s1 =	rddreg [dreg:$0x2];
	_ =	strace $0x8000004A;
	s7 =	sand.u32 $0x380, s4  }
0x7: {  	s5 =	sand.u32 $0x10, s5;
	p0 =	sne.s32 s7, $0x0;
	s7 =	simm.s32 $0x1  }
.Ltmp0:
0x8: {  	s8 =	sshrl.u32 s4, $0xA;
	s7 =	simm.s32 @!p0 $0x0;
	(pc) =	sbr.rel .LBB1_1-.Ltmp0, $4  }
0x9: {  	s9 =	sor.u32 s0, s5;
	s4 =	simm.s32 $0x1;
	s30 =	sadd.s32 s7, s8  }
0xa: {  	s11 =	smov.u32 s3;
	[sflag:s4] =	ssyncpa.u1 $0x0;
	s5 =	smul.u32 $0x32, s30  }
0xb: {  	[sflag:s31] =	ssyncpa.u1 $0x0;
	p0 =	por $0x0, $0x0;
	s7 =	sshrl.u32 s9, $0x3  }
0xc: {  	s9 =	simm.s32 $0x2000;
	s10 =	smov.u32 s7;
	s8 =	sor.u32 $0x1, s5  }
.LBB1_4:
0xd: {  	s17 =	sand.u32 $0x1F80, s14;
	s13 =	sshll.u32 s13, $0xD  }
0xe: {  	[tilespmem:s16+$0x810 ss:$0x81] =	vst.msk $0xffff, v2;
	s18 =	sshrl.u32 s14, $0x3;
	s31 =	sand.u32 $0x7, s14;
	s17 =	sadd.s32 s2, s17  }
0xf: {  	[tilespmem:s16+$0x1020 ss:$0x81] =	vst.msk $0xffff, v0;
	s18 =	sand.u32 $0xF, s18;
	s14 =	sshll.u32 s31, $0x12;
	s13 =	sadd.s32 s13, s17  }
0x10: {  	[tilespmem:s16+$0x0 ss:$0x81] =	vst.msk $0xffff, v1;
	s14 =	sor.u32 $0x400, s14;
	s13 =	sadd.s32 s18, s13  }
0x11: {  	[hbm4b:s13+s14] =	stream.strided.scatter [tilespmem:s15], [sflag:$0x2], $0x2000, s9, s14, $0x20;
	[tilespmem:$0x8080] =	vst v63  }
.LBB1_5:
0x12: {  	s15 =	sadd.s32 $0x4, s10  }
0x13: {  	s13 =	sadd.s32 $0x400, s11;
	s17 =	smov.u32 s11;
	p2 =	sgt.s32 s15, $0xC7  }
0x14: {  	s17 =	smov.u32 @p2 s13  }
0x15: {  	s15 =	smov.u32 @p2 s7;
	p2 =	sgt.s32 s17, $0x3FF  }
0x16: {  	s17 =	smov.u32 @p2 s3;
	p2 =	sne.s32 s12, s8  }
.Ltmp1:
0x17: {  	p1 =	slt.u32 s12, $0x2;
	(pc) =	sbr.rel @!p2 .LBB1_6-.Ltmp1, $4  }
0x18: {  	s16 =	simm.s32 @!p1 $0x2  }
0x19: {  	s14 =	smov.u32 s11;
	p0 =	por !p0, !p0;
	_ =	swait.ge @!p1 [sflag:s16], $0x2000  }
0x1a: {  	s13 =	smov.u32 s10;
	[sflag:s16] =	ssyncset.done @!p1 $0x0;
	s10 =	smov.u32 s15  }
0x1b: {  	s12 =	sadd.s32 $0x1, s12;
	[sflag:s16] =	ssyncadd.s32 @!p1 $0xFFFFE000;
	s11 =	smov.u32 s17  }
.LBB1_1:
0x1c: {  	p1 =	sge.u32 s12, s5  }
0x1d: {  	s15 =	sand.u32 @!p1 $0x1FFFFFF, s10  }
0x1e: {  	s16 =	smulhi.u32 @!p1 $0x147AE15, s15;
	_ =	sdelay $0x1  }
0x1f: {  	s16 =	smul.u32 @!p1 $0xC8, s16  }
0x20: {  	s17 =	sxor.u32 @!p1 $0xFFFFFFFF, s12;
	s18 =	smul.u32 @!p1 $0xC80, s11  }
0x21: {  	s31 =	sadd.s32 $0xFFFFFFFF, s12;
	s17 =	sshll.u32 @!p1 s17, $0xD;
	s15 =	ssub.s32 @!p1 s15, s16  }
0x22: {  	s16 =	sand.u32 @!p1 $0x2000, s17;
	s17 =	sadd.s32 @!p1 s6, s18;
	s15 =	sshll.u32 @!p1 s15, $0x4  }
0x23: {  	s18 =	simm.s32 @!p1 $0x6400;
	s15 =	sadd.s32 @!p1 s15, s17;
	s17 =	simm.s32 @!p1 $0x40  }
0x24: {  	[tilespmem:s16], [sflag:$0x1] =	stream.strided.gather @!p1 [hbm4b:s15+s17], $0x2000, s18, s17, $0x38;
	[tilespmem:$0x8080] =	vst v63  }
0x25: {  	p1 =	sge.u32 s31, s5  }
.Ltmp2:
0x26: {  	_ = 	snop;
	(pc) =	sbr.rel @p1 .LBB1_5-.Ltmp2, $1  }
0x27: {  	_ =	sdelay $0x3  }
0x28: {  	s15 =	simm.s32 $0x1  }
0x29: {  	_ =	swait.ge [sflag:s4], $0x2000;
	s15 =	simm.s32 @!p0 $0x0  }
0x2a: {  	[sflag:s4] =	ssyncset.done $0x0;
	s16 =	sshll.u32 s15, $0xD  }
0x2b: {  	[sflag:s4] =	ssyncadd.s32 $0xFFFFE000;
	s19 =	sor.u32 $0x20, s16  }
0x2c: {  	s15 =	smul.u32 $0x8100, s15;
	v3 =	vld [tilespmem:s19+$0x10]  }
0x2d: {  	s30 =	sand.u32 $0x1, s12;
	v2 =	vld [tilespmem:s19+$0xFFFFFFF0]  }
0x2e: {  	s16 =	smul.u32 $0x8100, s30;
	s15 =	sshrl.u32 s15, $0x2;
	v0 =	vld [tilespmem:s19+$0x0]  }
0x2f: {  	v1 =	vld [tilespmem:s19+$0xFFFFFFE0];
	s17 =	sor.u32 $0x4000, s15  }
0x30: {  	s31 =	sshrl.u32 s16, $0x2;
	s16 =	sadd.s32 $0x0, s17  }
0x31: {  	s18 =	simm.s32 $0x4;
	s19 =	sadd.s32 $0x40, s19;
	s15 =	sor.u32 $0x4000, s31;
	[tilespmem:s16+$0x1830 ss:$0x81] =	vst.msk $0xffff, v3  }
.LBB1_3:
0x32: {  	v3 =	vld [tilespmem:s19+$0x10];
	p1 =	sne.s32 s18, $0x1FC;
	[tilespmem:s16+$0x810 ss:$0x81] =	vst.msk $0xffff, v2;
	s20 =	smov.u32 s18;
	s18 =	sadd.s32 $0x4, s18  }
.Ltmp3:
0x33: {  	v2 =	vld [tilespmem:s19+$0xFFFFFFF0];
	[tilespmem:s16+$0x1020 ss:$0x81] =	vst.msk $0xffff, v0;
	(pc) =	sbr.rel @p1 .LBB1_3-.Ltmp3, $4  }
0x34: {  	v0 =	vld [tilespmem:s19+$0x0];
	[tilespmem:s16+$0x0 ss:$0x81] =	vst.msk $0xffff, v1  }
0x35: {  	s16 =	sshra.s32 s20, $0x2;
	v1 =	vld [tilespmem:s19+$0xFFFFFFE0]  }
0x36: {  	s16 =	sadd.s32 s16, s17  }
0x37: {  	s19 =	sadd.s32 $0x40, s19;
	[tilespmem:s16+$0x1830 ss:$0x81] =	vst.msk $0xffff, v3  }
.Ltmp4:
0x38: {  	_ = 	snop;
	(pc) =	sbr.rel .LBB1_4-.Ltmp4, $1  }
0x39: {  	_ =	sdelay $0x3  }
.LBB1_6:
0x3a: {  	_ =	sfence.sel $0x180000  }
0x3b: {  	s2 =	simm.s32 $0x1;
	[bflag:$0x0] =	sbarrier.arrive $0xFFFF  }
0x3c: {  	s31 =	simm.s32 $0x2;
	[sflag:s2] =	ssyncpa.u1 $0x1  }
0x3d: {  	[sflag:s31] =	ssyncpa.u1 $0x1  }
0x3e: {  	p0 =	sne.s32 s0, $0x0;
	_ =	strace $0x9000004A  }
0x3f: {  	s0 =	sadd.s32 @!p0 $0x100000, s1;
	[bflag:$0x2] =	sbarrier.arrive $0xFFFF  }
0x40: {  	[sflag:s0] =	ssyncadd.tile.s32 @!p0 $0x1;
	_ =	shalt  }
.Lfunc_end1:
_tile_overlayer_lowered:
.L_overlay_start_2:
0x41: {  	(tag) =	ssettag $0x2  }
0x42: {  	s0 =	rddreg [dreg:$0x0];
	s2 =	stileid.u32  }
0x43: {  	s1 =	rddreg [dreg:$0x1];
	p0 =	sne.s32 s2, $0x0  }
0x44: {  	s3 =	rddreg [dreg:$0x2];
	[bflag:$0x3] =	sbarrier.arrive $0xFFFF;
	s2 =	simm.s32 @!p0 $0x1C01  }
0x45: {  	[timem:s3], [sflag:s2] =	dma.local @!p0 [hbm:s0], s1  }
0x46: {  	s0 =	simm.s32 @!p0 $0x1  }
0x47: {  	_ =	swait.ge @!p0 [sflag:s0], s1  }
0x48: {  	s1 =	ssub.s32 @!p0 $0x0, s1;
	[sflag:s0] =	ssyncset.done @!p0 $0x0  }
0x49: {  	[sflag:s0] =	ssyncadd.s32 @!p0 s1  }
0x4a: {  	[bflag:$0x3] =	sbarrier.arrive $0xFFFF  }
0x4b: {  	_ =	shalt  }

</sc_bundles>
